<compile_context>
chip_gen: v7x
topology: tpu7x:2x2x1
jax: 0.10.2.dev20260603
libtpu: 0.0.44.dev20260713+nightly
codegen_flags: <defaults>
</compile_context>

<pallas_src>
import functools

import jax
import jax.numpy as jnp
from jax import lax
from jax.experimental import pallas as pl
from jax.experimental.pallas import tpu as pltpu
from jax.experimental.pallas import tpu_sc as plsc

NCODES = 1000
CPAD = 1024
DIM = 20
TB = 4096
NW = 32
ROWS = 16 * 4096
RPW = ROWS // NW
TPW = RPW


def _argmin_body(x_ref, em_ref, e2_ref, idx_ref):
    xb = x_ref[0]
    dot = jax.lax.dot_general(
        em_ref[...], xb, (((1,), (0,)), ((), ())),
        preferred_element_type=jnp.float32)
    dist = dot + e2_ref[...]
    idx_ref[0, 0] = jnp.argmin(dist, axis=0).astype(jnp.int32)


def _kl_body(x_ref, q_ref, hp_ref, loss_ref, ppx_ref):
    step = pl.program_id(0)
    xb = x_ref[0]
    qT = q_ref[0]

    mx_i = jnp.max(xb, axis=0, keepdims=True)
    ex = jnp.exp(xb - mx_i)
    se = jnp.sum(ex, axis=0, keepdims=True)
    sm_i = ex / se
    log_sm_i = (xb - mx_i) - jnp.log(se)
    mx_q = jnp.max(qT, axis=0, keepdims=True)
    eq = jnp.exp(qT - mx_q)
    sm_q = eq / jnp.sum(eq, axis=0, keepdims=True)
    tile_loss = jnp.sum(sm_i * (log_sm_i - sm_q)).reshape(1, 1)

    @pl.when(step == 0)
    def _init():
        loss_ref[...] = jnp.zeros_like(loss_ref)
        avg = jnp.sum(hp_ref[...], axis=0, keepdims=True) / ROWS
        ent = -jnp.sum(avg * jnp.log(avg + 1e-10))
        ppx_ref[...] = jnp.exp(ent).reshape(1, 1)

    loss_ref[...] += tile_loss


def _sc_gather_hist(idx_hbm, tab_hbm, q_hbm, hist_hbm,
                    idx_v, tab_v, qblk, h2d, hrow):
    wid = lax.axis_index("s") * 2 + lax.axis_index("c")
    base = wid * RPW
    b = base // 4096
    t0 = base % 4096

    pltpu.sync_copy(idx_hbm.at[pl.ds(base, RPW)], idx_v)
    pltpu.sync_copy(tab_hbm, tab_v)

    lane = lax.broadcasted_iota(jnp.int32, (16,), 0)
    ones = jnp.ones((16,), jnp.float32)

    def zbody(j, c):
        for l in range(16):
            h2d[l, pl.ds(j * 16, 16)] = jnp.zeros((16,), jnp.float32)
        return c
    lax.fori_loop(0, CPAD // 16, zbody, 0)

    def gbody(i, c):
        ivs = []
        for u in range(4):
            iv = idx_v[pl.ds(i * 64 + u * 16, 16)]
            ivs.append(iv)
        for u in range(4):
            base20 = ivs[u] * DIM
            for ch in range(DIM):
                vals = plsc.load_gather(tab_v, [base20 + ch])
                qblk[ch, pl.ds(i * 64 + u * 16, 16)] = vals
        for u in range(4):
            plsc.addupdate_scatter(h2d, [lane, ivs[u]], ones)
        return c
    lax.fori_loop(0, RPW // 64, gbody, 0)

    def rbody(j, c):
        acc = h2d[0, pl.ds(j * 16, 16)]
        for l in range(1, 16):
            acc = acc + h2d[l, pl.ds(j * 16, 16)]
        hrow[pl.ds(j * 16, 16)] = acc
        return c
    lax.fori_loop(0, CPAD // 16, rbody, 0)

    pltpu.sync_copy(qblk, q_hbm.at[b, :, pl.ds(t0, TPW)])
    pltpu.sync_copy(hrow, hist_hbm.at[wid])


def kernel(inputs, emb_w):
    B, C, T = inputs.shape
    nt = T // TB
    ng = B * nt
    ewp = jnp.zeros((CPAD, DIM), jnp.float32).at[:NCODES].set(emb_w)
    e2 = jnp.full((CPAD, 1), 1e30, jnp.float32).at[:NCODES, 0].set(
        jnp.sum(emb_w * emb_w, axis=1))
    em = -2.0 * ewp

    idxo = pl.pallas_call(
        _argmin_body,
        grid=(ng,),
        in_specs=[
            pl.BlockSpec((1, DIM, TB), lambda i: (i // nt, 0, i % nt)),
            pl.BlockSpec((CPAD, DIM), lambda i: (0, 0)),
            pl.BlockSpec((CPAD, 1), lambda i: (0, 0)),
        ],
        out_specs=pl.BlockSpec((1, 1, TB), lambda i: (i, 0, 0)),
        out_shape=jax.ShapeDtypeStruct((ng, 1, TB), jnp.int32),
        compiler_params=pltpu.CompilerParams(
            dimension_semantics=("arbitrary",)),
    )(inputs, em, e2)
    enc_idx = idxo.reshape(-1)

    sc_gather = functools.partial(
        pl.kernel,
        mesh=plsc.VectorSubcoreMesh(core_axis_name="c", subcore_axis_name="s"),
        out_type=[
            jax.ShapeDtypeStruct((B, C, T), jnp.float32),
            jax.ShapeDtypeStruct((NW, CPAD), jnp.float32),
        ],
        scratch_types=[
            pltpu.VMEM((RPW,), jnp.int32),
            pltpu.VMEM((NCODES * DIM,), jnp.float32),
            pltpu.VMEM((DIM, TPW), jnp.float32),
            pltpu.VMEM((16, CPAD), jnp.float32),
            pltpu.VMEM((CPAD,), jnp.float32),
        ],
        compiler_params=pltpu.CompilerParams(needs_layout_passes=False),
    )(_sc_gather_hist)
    q, hist_parts = sc_gather(enc_idx, emb_w.reshape(-1))

    loss_sum, ppx = pl.pallas_call(
        _kl_body,
        grid=(ng,),
        in_specs=[
            pl.BlockSpec((1, DIM, TB), lambda i: (i // nt, 0, i % nt)),
            pl.BlockSpec((1, DIM, TB), lambda i: (i // nt, 0, i % nt)),
            pl.BlockSpec((NW, CPAD), lambda i: (0, 0)),
        ],
        out_specs=[
            pl.BlockSpec((1, 1), lambda i: (0, 0)),
            pl.BlockSpec((1, 1), lambda i: (0, 0)),
        ],
        out_shape=[
            jax.ShapeDtypeStruct((1, 1), jnp.float32),
            jax.ShapeDtypeStruct((1, 1), jnp.float32),
        ],
        compiler_params=pltpu.CompilerParams(
            dimension_semantics=("arbitrary",)),
    )(inputs, q, hist_parts)

    loss = 0.1 * loss_sum[0, 0] / B
    return q, loss, ppx[0, 0], emb_w, enc_idx

# --- scband reference (transcript-rebuilt; emitter-appended) ---
"""Pipeline reference for scband-vector-quantizer-4990751998021 (READ-ONLY COPY).

The authoritative reference and input builder live on the scoring server;
editing this copy changes nothing except your own understanding.
"""

import jax, jax.numpy as jnp
import numpy as np

NUM_EMBEDDINGS = 1000
EMBEDDING_DIM = 20
COMMITMENT_COST = 0.1


def setup_inputs(seed: int = 0) -> dict:
    key = jax.random.key(seed)
    k1, k2 = jax.random.split(key)
    inputs = jax.random.normal(k1, (16, EMBEDDING_DIM, 4096), dtype=jnp.float32)
    # nn.Embedding weight, initialized with .normal_() as in the torch module
    emb_w = jax.random.normal(k2, (NUM_EMBEDDINGS, EMBEDDING_DIM), dtype=jnp.float32)
    return {"inputs": inputs, "emb_w": emb_w}


def reference(inputs, emb_w):
    # inputs: [B, C, T] -> permute(0, 2, 1) -> [B, T, C]
    x = jnp.transpose(inputs, (0, 2, 1))
    input_shape = x.shape
    flat = x.reshape(-1, EMBEDDING_DIM)
    # squared L2 distances to every codebook entry
    distances = (jnp.sum(flat ** 2, axis=1, keepdims=True)
                 + jnp.sum(emb_w ** 2, axis=1)
                 - 2.0 * (flat @ emb_w.T))
    encoding_indices = jnp.argmin(distances, axis=1)
    # scatter_ one-hot encodings
    encodings = jax.nn.one_hot(encoding_indices, NUM_EMBEDDINGS, dtype=jnp.float32)
    quantized = (encodings @ emb_w).reshape(input_shape)
    # KLDivLoss(reduction='batchmean') with input=softmax(quantized.detach()), target=softmax(inputs)
    # pointwise: target * (log(target) - input), summed and divided by batch size
    sm_q = jax.nn.softmax(jax.lax.stop_gradient(quantized), axis=2)
    sm_i = jax.nn.softmax(x, axis=2)
    e_latent_loss = jnp.sum(sm_i * (jnp.log(sm_i) - sm_q)) / input_shape[0]
    loss = COMMITMENT_COST * e_latent_loss
    # straight-through estimator
    quantized_st = x + jax.lax.stop_gradient(quantized - x)
    avg_probs = jnp.mean(encodings, axis=0)
    perplexity = jnp.exp(-jnp.sum(avg_probs * jnp.log(avg_probs + 1e-10)))
    # the torch module also returns a python list of string-tagged indices; we
    # return the integer indices array instead (same information)
    return (jnp.transpose(quantized_st, (0, 2, 1)), loss, perplexity, emb_w, encoding_indices)

if __name__ == "__main__":
    import jax
    _d = setup_inputs()
    print(jax.jit(kernel)(*tuple(_d.values())))

</pallas_src>

<mosaic_0001>
#map = affine_map<(d0, d1) -> (0)>
#map1 = affine_map<(d0, d1) -> (0, 0, 0)>
#map2 = affine_map<(d0, d1) -> (0, 0)>
module attributes {stable_mosaic.version = 14 : i64} {
  func.func @_sc_gather_hist(%arg0: i32, %arg1: i32, %arg2: memref<65536xi32, #tpu.memory_space<hbm>>, %arg3: memref<20000xf32, #tpu.memory_space<hbm>>, %arg4: memref<16x20x4096xf32, #tpu.memory_space<hbm>>, %arg5: memref<32x1024xf32, #tpu.memory_space<hbm>>, %arg6: memref<2048xi32, #tpu.memory_space<vmem>>, %arg7: memref<20000xf32, #tpu.memory_space<vmem>>, %arg8: memref<20x2048xf32, #tpu.memory_space<vmem>>, %arg9: memref<16x1024xf32, #tpu.memory_space<vmem>>, %arg10: memref<1024xf32, #tpu.memory_space<vmem>>) attributes {dimension_semantics = [#tpu.dimension_semantics<core_parallel>, #tpu.dimension_semantics<subcore_parallel>], iteration_bounds = array<i64: 2, 16>, scalar_prefetch = 0 : i64, scratch_operands = 5 : i64, tpu.core_type = #tpu.core_type<sc_vector_subcore>, window_params = [{transform_indices = #map}, {transform_indices = #map}, {transform_indices = #map1}, {transform_indices = #map2}]} {
    %mul3A = arith.constant 2 : i32
    %mul3A_0 = arith.muli %arg1, %mul3A : i32
    %add3A = arith.addi %mul3A_0, %arg0 : i32
    %mul3A_1 = arith.constant 2048 : i32
    %mul3A_2 = arith.muli %add3A, %mul3A_1 : i32
    %jit3A = arith.constant 4096 : i32
    %div3A = arith.divsi %mul3A_2, %jit3A : i32
    %sign3A = arith.constant 0 : i32
    %sign3A_3 = arith.cmpi sgt, %mul3A_2, %sign3A : i32
    %sign3A_4 = arith.extui %sign3A_3 : i1 to i32
    %sign3A_5 = arith.constant 0 : i32
    %sign3A_6 = arith.cmpi slt, %mul3A_2, %sign3A_5 : i32
    %sign3A_7 = arith.extui %sign3A_6 : i1 to i32
    %sign3A_8 = arith.subi %sign3A_4, %sign3A_7 : i32
    %sign3A_9 = arith.constant 0 : i32
    %sign3A_10 = arith.cmpi sgt, %jit3A, %sign3A_9 : i32
    %sign3A_11 = arith.extui %sign3A_10 : i1 to i32
    %sign3A_12 = arith.constant 0 : i32
    %sign3A_13 = arith.cmpi slt, %jit3A, %sign3A_12 : i32
    %sign3A_14 = arith.extui %sign3A_13 : i1 to i32
    %sign3A_15 = arith.subi %sign3A_11, %sign3A_14 : i32
    %ne3A = arith.cmpi ne, %sign3A_8, %sign3A_15 : i32
    %rem3A = arith.remsi %mul3A_2, %jit3A : i32
    %ne3A_16 = arith.constant 0 : i32
    %ne3A_17 = arith.cmpi ne, %rem3A, %ne3A_16 : i32
    %and3A = arith.andi %ne3A, %ne3A_17 : i1
    %sub3A = arith.constant 1 : i32
    %sub3A_18 = arith.subi %div3A, %sub3A : i32
    %select_n3A = arith.select %and3A, %sub3A_18, %div3A : i32
    %jit3A_19 = arith.constant 4096 : i32
    %eq3A = arith.constant 0 : i32
    %eq3A_20 = arith.cmpi eq, %jit3A_19, %eq3A : i32
    %jit3A_21 = arith.constant 1 : i32
    %select_n3A_22 = arith.select %eq3A_20, %jit3A_21, %jit3A_19 : i32
    %rem3A_23 = arith.remsi %mul3A_2, %select_n3A_22 : i32
    %ne3A_24 = arith.constant 0 : i32
    %ne3A_25 = arith.cmpi ne, %rem3A_23, %ne3A_24 : i32
    %lt3A = arith.constant 0 : i32
    %lt3A_26 = arith.cmpi slt, %rem3A_23, %lt3A : i32
    %lt3A_27 = arith.constant 0 : i32
    %lt3A_28 = arith.cmpi slt, %select_n3A_22, %lt3A_27 : i32
    %ne3A_29 = arith.xori %lt3A_26, %lt3A_28 : i1
    %and3A_30 = arith.andi %ne3A_29, %ne3A_25 : i1
    %add3A_31 = arith.addi %rem3A_23, %select_n3A_22 : i32
    %select_n3A_32 = arith.select %and3A_30, %add3A_31, %rem3A_23 : i32
    "tpu.region"() ({
      %run_scoped3A = tpu.sem_alloc : memref<!tpu.dma_semaphore, #tpu.memory_space<semaphore_mem>>
      %dma_start3A = tpu.memref_slice %arg2[%mul3A_2] : memref<65536xi32, #tpu.memory_space<hbm>> -> memref<2048xi32, #tpu.memory_space<hbm>>
      %dma_start3A_51 = tpu.memref_slice %arg2[%mul3A_2] : memref<65536xi32, #tpu.memory_space<hbm>> -> memref<2048xi32, #tpu.memory_space<hbm>>
      tpu.enqueue_dma source(%dma_start3A_51 : memref<2048xi32, #tpu.memory_space<hbm>>) target(%arg6 : memref<2048xi32, #tpu.memory_space<vmem>>) target_semaphore(%run_scoped3A : memref<!tpu.dma_semaphore, #tpu.memory_space<semaphore_mem>>)
      %dma_wait3A = tpu.memref_slice %arg2[%mul3A_2] : memref<65536xi32, #tpu.memory_space<hbm>> -> memref<2048xi32, #tpu.memory_space<hbm>>
      %dma_wait3A_52 = tpu.memref_slice %arg2[%mul3A_2] : memref<65536xi32, #tpu.memory_space<hbm>> -> memref<2048xi32, #tpu.memory_space<hbm>>
      tpu.wait_dma2 semaphore(%run_scoped3A : memref<!tpu.dma_semaphore, #tpu.memory_space<semaphore_mem>>) src(%dma_wait3A_52 : memref<2048xi32, #tpu.memory_space<hbm>>) dst(%arg6 : memref<2048xi32, #tpu.memory_space<vmem>>)
      tpu.yield
    }) : () -> ()
    "tpu.region"() ({
      %run_scoped3A = tpu.sem_alloc : memref<!tpu.dma_semaphore, #tpu.memory_space<semaphore_mem>>
      tpu.enqueue_dma source(%arg3 : memref<20000xf32, #tpu.memory_space<hbm>>) target(%arg7 : memref<20000xf32, #tpu.memory_space<vmem>>) target_semaphore(%run_scoped3A : memref<!tpu.dma_semaphore, #tpu.memory_space<semaphore_mem>>)
      tpu.wait_dma2 semaphore(%run_scoped3A : memref<!tpu.dma_semaphore, #tpu.memory_space<semaphore_mem>>) src(%arg3 : memref<20000xf32, #tpu.memory_space<hbm>>) dst(%arg7 : memref<20000xf32, #tpu.memory_space<vmem>>)
      tpu.yield
    }) : () -> ()
    %iota3A = tpu.iota {dimensions = array<i32: 0>} : vector<16xi32>
    %broadcast_in_dim3A = arith.constant 1.000000e+00 : f32
    %broadcast_in_dim3A_33 = vector.broadcast %broadcast_in_dim3A : f32 to vector<16xf32>
    %scan3A = arith.constant 0 : i32
    %scan3A_34 = arith.constant 0 : i32
    %scan3A_35 = arith.constant 64 : i32
    %scan3A_36 = arith.addi %scan3A_34, %scan3A_35 : i32
    %scan3A_37 = arith.constant 1 : i32
    scf.for %scan3A_51 = %scan3A_34 to %scan3A_36 step %scan3A_37  : i32 {
      %broadcast_in_dim3A_52 = arith.constant 0.000000e+00 : f32
      %broadcast_in_dim3A_53 = vector.broadcast %broadcast_in_dim3A_52 : f32 to vector<16xf32>
      %mul3A_54 = arith.constant 16 : i32
      %mul3A_55 = arith.muli %scan3A_51, %mul3A_54 : i32
      %swap3A = arith.constant 0 : i32
      %swap3A_56 = arith.index_cast %swap3A : i32 to index
      %swap3A_57 = arith.index_cast %mul3A_55 : i32 to index
      %swap3A_58 = tpu.vector_load %arg9[%swap3A_56, %swap3A_57] {strides = array<i32>} : memref<16x1024xf32, #tpu.memory_space<vmem>>, vector<16xf32>,
      tpu.vector_store %arg9[%swap3A_56, %swap3A_57], %broadcast_in_dim3A_53 {strides = array<i32>} : memref<16x1024xf32, #tpu.memory_space<vmem>>, vector<16xf32>,
      %broadcast_in_dim3A_59 = arith.constant 0.000000e+00 : f32
      %broadcast_in_dim3A_60 = vector.broadcast %broadcast_in_dim3A_59 : f32 to vector<16xf32>
      %mul3A_61 = arith.constant 16 : i32
      %mul3A_62 = arith.muli %scan3A_51, %mul3A_61 : i32
      %swap3A_63 = arith.constant 1 : i32
      %swap3A_64 = arith.index_cast %swap3A_63 : i32 to index
      %swap3A_65 = arith.index_cast %mul3A_62 : i32 to index
      %swap3A_66 = tpu.vector_load %arg9[%swap3A_64, %swap3A_65] {strides = array<i32>} : memref<16x1024xf32, #tpu.memory_space<vmem>>, vector<16xf32>,
      tpu.vector_store %arg9[%swap3A_64, %swap3A_65], %broadcast_in_dim3A_60 {strides = array<i32>} : memref<16x1024xf32, #tpu.memory_space<vmem>>, vector<16xf32>,
      %broadcast_in_dim3A_67 = arith.constant 0.000000e+00 : f32
      %broadcast_in_dim3A_68 = vector.broadcast %broadcast_in_dim3A_67 : f32 to vector<16xf32>
      %mul3A_69 = arith.constant 16 : i32
      %mul3A_70 = arith.muli %scan3A_51, %mul3A_69 : i32
      %swap3A_71 = arith.constant 2 : i32
      %swap3A_72 = arith.index_cast %swap3A_71 : i32 to index
      %swap3A_73 = arith.index_cast %mul3A_70 : i32 to index
      %swap3A_74 = tpu.vector_load %arg9[%swap3A_72, %swap3A_73] {strides = array<i32>} : memref<16x1024xf32, #tpu.memory_space<vmem>>, vector<16xf32>,
      tpu.vector_store %arg9[%swap3A_72, %swap3A_73], %broadcast_in_dim3A_68 {strides = array<i32>} : memref<16x1024xf32, #tpu.memory_space<vmem>>, vector<16xf32>,
      %broadcast_in_dim3A_75 = arith.constant 0.000000e+00 : f32
      %broadcast_in_dim3A_76 = vector.broadcast %broadcast_in_dim3A_75 : f32 to vector<16xf32>
      %mul3A_77 = arith.constant 16 : i32
      %mul3A_78 = arith.muli %scan3A_51, %mul3A_77 : i32
      %swap3A_79 = arith.constant 3 : i32
      %swap3A_80 = arith.index_cast %swap3A_79 : i32 to index
      %swap3A_81 = arith.index_cast %mul3A_78 : i32 to index
      %swap3A_82 = tpu.vector_load %arg9[%swap3A_80, %swap3A_81] {strides = array<i32>} : memref<16x1024xf32, #tpu.memory_space<vmem>>, vector<16xf32>,
      tpu.vector_store %arg9[%swap3A_80, %swap3A_81], %broadcast_in_dim3A_76 {strides = array<i32>} : memref<16x1024xf32, #tpu.memory_space<vmem>>, vector<16xf32>,
      %broadcast_in_dim3A_83 = arith.constant 0.000000e+00 : f32
      %broadcast_in_dim3A_84 = vector.broadcast %broadcast_in_dim3A_83 : f32 to vector<16xf32>
      %mul3A_85 = arith.constant 16 : i32
      %mul3A_86 = arith.muli %scan3A_51, %mul3A_85 : i32
      %swap3A_87 = arith.constant 4 : i32
      %swap3A_88 = arith.index_cast %swap3A_87 : i32 to index
      %swap3A_89 = arith.index_cast %mul3A_86 : i32 to index
      %swap3A_90 = tpu.vector_load %arg9[%swap3A_88, %swap3A_89] {strides = array<i32>} : memref<16x1024xf32, #tpu.memory_space<vmem>>, vector<16xf32>,
      tpu.vector_store %arg9[%swap3A_88, %swap3A_89], %broadcast_in_dim3A_84 {strides = array<i32>} : memref<16x1024xf32, #tpu.memory_space<vmem>>, vector<16xf32>,
      %broadcast_in_dim3A_91 = arith.constant 0.000000e+00 : f32
      %broadcast_in_dim3A_92 = vector.broadcast %broadcast_in_dim3A_91 : f32 to vector<16xf32>
      %mul3A_93 = arith.constant 16 : i32
      %mul3A_94 = arith.muli %scan3A_51, %mul3A_93 : i32
      %swap3A_95 = arith.constant 5 : i32
      %swap3A_96 = arith.index_cast %swap3A_95 : i32 to index
      %swap3A_97 = arith.index_cast %mul3A_94 : i32 to index
      %swap3A_98 = tpu.vector_load %arg9[%swap3A_96, %swap3A_97] {strides = array<i32>} : memref<16x1024xf32, #tpu.memory_space<vmem>>, vector<16xf32>,
      tpu.vector_store %arg9[%swap3A_96, %swap3A_97], %broadcast_in_dim3A_92 {strides = array<i32>} : memref<16x1024xf32, #tpu.memory_space<vmem>>, vector<16xf32>,
      %broadcast_in_dim3A_99 = arith.constant 0.000000e+00 : f32
      %broadcast_in_dim3A_100 = vector.broadcast %broadcast_in_dim3A_99 : f32 to vector<16xf32>
      %mul3A_101 = arith.constant 16 : i32
      %mul3A_102 = arith.muli %scan3A_51, %mul3A_101 : i32
      %swap3A_103 = arith.constant 6 : i32
      %swap3A_104 = arith.index_cast %swap3A_103 : i32 to index
      %swap3A_105 = arith.index_cast %mul3A_102 : i32 to index
      %swap3A_106 = tpu.vector_load %arg9[%swap3A_104, %swap3A_105] {strides = array<i32>} : memref<16x1024xf32, #tpu.memory_space<vmem>>, vector<16xf32>,
      tpu.vector_store %arg9[%swap3A_104, %swap3A_105], %broadcast_in_dim3A_100 {strides = array<i32>} : memref<16x1024xf32, #tpu.memory_space<vmem>>, vector<16xf32>,
      %broadcast_in_dim3A_107 = arith.constant 0.000000e+00 : f32
      %broadcast_in_dim3A_108 = vector.broadcast %broadcast_in_dim3A_107 : f32 to vector<16xf32>
      %mul3A_109 = arith.constant 16 : i32
      %mul3A_110 = arith.muli %scan3A_51, %mul3A_109 : i32
      %swap3A_111 = arith.constant 7 : i32
      %swap3A_112 = arith.index_cast %swap3A_111 : i32 to index
      %swap3A_113 = arith.index_cast %mul3A_110 : i32 to index
      %swap3A_114 = tpu.vector_load %arg9[%swap3A_112, %swap3A_113] {strides = array<i32>} : memref<16x1024xf32, #tpu.memory_space<vmem>>, vector<16xf32>,
      tpu.vector_store %arg9[%swap3A_112, %swap3A_113], %broadcast_in_dim3A_108 {strides = array<i32>} : memref<16x1024xf32, #tpu.memory_space<vmem>>, vector<16xf32>,
      %broadcast_in_dim3A_115 = arith.constant 0.000000e+00 : f32
      %broadcast_in_dim3A_116 = vector.broadcast %broadcast_in_dim3A_115 : f32 to vector<16xf32>
      %mul3A_117 = arith.constant 16 : i32
      %mul3A_118 = arith.muli %scan3A_51, %mul3A_117 : i32
      %swap3A_119 = arith.constant 8 : i32
      %swap3A_120 = arith.index_cast %swap3A_119 : i32 to index
      %swap3A_121 = arith.index_cast %mul3A_118 : i32 to index
      %swap3A_122 = tpu.vector_load %arg9[%swap3A_120, %swap3A_121] {strides = array<i32>} : memref<16x1024xf32, #tpu.memory_space<vmem>>, vector<16xf32>,
      tpu.vector_store %arg9[%swap3A_120, %swap3A_121], %broadcast_in_dim3A_116 {strides = array<i32>} : memref<16x1024xf32, #tpu.memory_space<vmem>>, vector<16xf32>,
      %broadcast_in_dim3A_123 = arith.constant 0.000000e+00 : f32
      %broadcast_in_dim3A_124 = vector.broadcast %broadcast_in_dim3A_123 : f32 to vector<16xf32>
      %mul3A_125 = arith.constant 16 : i32
      %mul3A_126 = arith.muli %scan3A_51, %mul3A_125 : i32
      %swap3A_127 = arith.constant 9 : i32
      %swap3A_128 = arith.index_cast %swap3A_127 : i32 to index
      %swap3A_129 = arith.index_cast %mul3A_126 : i32 to index
      %swap3A_130 = tpu.vector_load %arg9[%swap3A_128, %swap3A_129] {strides = array<i32>} : memref<16x1024xf32, #tpu.memory_space<vmem>>, vector<16xf32>,
      tpu.vector_store %arg9[%swap3A_128, %swap3A_129], %broadcast_in_dim3A_124 {strides = array<i32>} : memref<16x1024xf32, #tpu.memory_space<vmem>>, vector<16xf32>,
      %broadcast_in_dim3A_131 = arith.constant 0.000000e+00 : f32
      %broadcast_in_dim3A_132 = vector.broadcast %broadcast_in_dim3A_131 : f32 to vector<16xf32>
      %mul3A_133 = arith.constant 16 : i32
      %mul3A_134 = arith.muli %scan3A_51, %mul3A_133 : i32
      %swap3A_135 = arith.constant 10 : i32
      %swap3A_136 = arith.index_cast %swap3A_135 : i32 to index
      %swap3A_137 = arith.index_cast %mul3A_134 : i32 to index
      %swap3A_138 = tpu.vector_load %arg9[%swap3A_136, %swap3A_137] {strides = array<i32>} : memref<16x1024xf32, #tpu.memory_space<vmem>>, vector<16xf32>,
      tpu.vector_store %arg9[%swap3A_136, %swap3A_137], %broadcast_in_dim3A_132 {strides = array<i32>} : memref<16x1024xf32, #tpu.memory_space<vmem>>, vector<16xf32>,
      %broadcast_in_dim3A_139 = arith.constant 0.000000e+00 : f32
      %broadcast_in_dim3A_140 = vector.broadcast %broadcast_in_dim3A_139 : f32 to vector<16xf32>
      %mul3A_141 = arith.constant 16 : i32
      %mul3A_142 = arith.muli %scan3A_51, %mul3A_141 : i32
      %swap3A_143 = arith.constant 11 : i32
      %swap3A_144 = arith.index_cast %swap3A_143 : i32 to index
      %swap3A_145 = arith.index_cast %mul3A_142 : i32 to index
      %swap3A_146 = tpu.vector_load %arg9[%swap3A_144, %swap3A_145] {strides = array<i32>} : memref<16x1024xf32, #tpu.memory_space<vmem>>, vector<16xf32>,
      tpu.vector_store %arg9[%swap3A_144, %swap3A_145], %broadcast_in_dim3A_140 {strides = array<i32>} : memref<16x1024xf32, #tpu.memory_space<vmem>>, vector<16xf32>,
      %broadcast_in_dim3A_147 = arith.constant 0.000000e+00 : f32
      %broadcast_in_dim3A_148 = vector.broadcast %broadcast_in_dim3A_147 : f32 to vector<16xf32>
      %mul3A_149 = arith.constant 16 : i32
      %mul3A_150 = arith.muli %scan3A_51, %mul3A_149 : i32
      %swap3A_151 = arith.constant 12 : i32
      %swap3A_152 = arith.index_cast %swap3A_151 : i32 to index
      %swap3A_153 = arith.index_cast %mul3A_150 : i32 to index
      %swap3A_154 = tpu.vector_load %arg9[%swap3A_152, %swap3A_153] {strides = array<i32>} : memref<16x1024xf32, #tpu.memory_space<vmem>>, vector<16xf32>,
      tpu.vector_store %arg9[%swap3A_152, %swap3A_153], %broadcast_in_dim3A_148 {strides = array<i32>} : memref<16x1024xf32, #tpu.memory_space<vmem>>, vector<16xf32>,
      %broadcast_in_dim3A_155 = arith.constant 0.000000e+00 : f32
      %broadcast_in_dim3A_156 = vector.broadcast %broadcast_in_dim3A_155 : f32 to vector<16xf32>
      %mul3A_157 = arith.constant 16 : i32
      %mul3A_158 = arith.muli %scan3A_51, %mul3A_157 : i32
      %swap3A_159 = arith.constant 13 : i32
      %swap3A_160 = arith.index_cast %swap3A_159 : i32 to index
      %swap3A_161 = arith.index_cast %mul3A_158 : i32 to index
      %swap3A_162 = tpu.vector_load %arg9[%swap3A_160, %swap3A_161] {strides = array<i32>} : memref<16x1024xf32, #tpu.memory_space<vmem>>, vector<16xf32>,
      tpu.vector_store %arg9[%swap3A_160, %swap3A_161], %broadcast_in_dim3A_156 {strides = array<i32>} : memref<16x1024xf32, #tpu.memory_space<vmem>>, vector<16xf32>,
      %broadcast_in_dim3A_163 = arith.constant 0.000000e+00 : f32
      %broadcast_in_dim3A_164 = vector.broadcast %broadcast_in_dim3A_163 : f32 to vector<16xf32>
      %mul3A_165 = arith.constant 16 : i32
      %mul3A_166 = arith.muli %scan3A_51, %mul3A_165 : i32
      %swap3A_167 = arith.constant 14 : i32
      %swap3A_168 = arith.index_cast %swap3A_167 : i32 to index
      %swap3A_169 = arith.index_cast %mul3A_166 : i32 to index
      %swap3A_170 = tpu.vector_load %arg9[%swap3A_168, %swap3A_169] {strides = array<i32>} : memref<16x1024xf32, #tpu.memory_space<vmem>>, vector<16xf32>,
      tpu.vector_store %arg9[%swap3A_168, %swap3A_169], %broadcast_in_dim3A_164 {strides = array<i32>} : memref<16x1024xf32, #tpu.memory_space<vmem>>, vector<16xf32>,
      %broadcast_in_dim3A_171 = arith.constant 0.000000e+00 : f32
      %broadcast_in_dim3A_172 = vector.broadcast %broadcast_in_dim3A_171 : f32 to vector<16xf32>
      %mul3A_173 = arith.constant 16 : i32
      %mul3A_174 = arith.muli %scan3A_51, %mul3A_173 : i32
      %swap3A_175 = arith.constant 15 : i32
      %swap3A_176 = arith.index_cast %swap3A_175 : i32 to index
      %swap3A_177 = arith.index_cast %mul3A_174 : i32 to index
      %swap3A_178 = tpu.vector_load %arg9[%swap3A_176, %swap3A_177] {strides = array<i32>} : memref<16x1024xf32, #tpu.memory_space<vmem>>, vector<16xf32>,
      tpu.vector_store %arg9[%swap3A_176, %swap3A_177], %broadcast_in_dim3A_172 {strides = array<i32>} : memref<16x1024xf32, #tpu.memory_space<vmem>>, vector<16xf32>,
    }
    %scan3A_38 = arith.constant 64 : i32
    %scan3A_39 = arith.constant 0 : i32
    %scan3A_40 = arith.constant 0 : i32
    %scan3A_41 = arith.constant 32 : i32
    %scan3A_42 = arith.addi %scan3A_40, %scan3A_41 : i32
    %scan3A_43 = arith.constant 1 : i32
    scf.for %scan3A_51 = %scan3A_40 to %scan3A_42 step %scan3A_43  : i32 {
      %mul3A_52 = arith.constant 64 : i32
      %mul3A_53 = arith.muli %scan3A_51, %mul3A_52 : i32
      %add3A_54 = arith.constant 0 : i32
      %add3A_55 = arith.addi %mul3A_53, %add3A_54 : i32
      %get3A = arith.index_cast %add3A_55 : i32 to index
      %get3A_56 = tpu.vector_load %arg6[%get3A] {strides = array<i32>} : memref<2048xi32, #tpu.memory_space<vmem>>, vector<16xi32>,
      %mul3A_57 = arith.constant 64 : i32
      %mul3A_58 = arith.muli %scan3A_51, %mul3A_57 : i32
      %add3A_59 = arith.constant 16 : i32
      %add3A_60 = arith.addi %mul3A_58, %add3A_59 : i32
      %get3A_61 = arith.index_cast %add3A_60 : i32 to index
      %get3A_62 = tpu.vector_load %arg6[%get3A_61] {strides = array<i32>} : memref<2048xi32, #tpu.memory_space<vmem>>, vector<16xi32>,
      %mul3A_63 = arith.constant 64 : i32
      %mul3A_64 = arith.muli %scan3A_51, %mul3A_63 : i32
      %add3A_65 = arith.constant 32 : i32
      %add3A_66 = arith.addi %mul3A_64, %add3A_65 : i32
      %get3A_67 = arith.index_cast %add3A_66 : i32 to index
      %get3A_68 = tpu.vector_load %arg6[%get3A_67] {strides = array<i32>} : memref<2048xi32, #tpu.memory_space<vmem>>, vector<16xi32>,
      %mul3A_69 = arith.constant 64 : i32
      %mul3A_70 = arith.muli %scan3A_51, %mul3A_69 : i32
      %add3A_71 = arith.constant 48 : i32
      %add3A_72 = arith.addi %mul3A_70, %add3A_71 : i32
      %get3A_73 = arith.index_cast %add3A_72 : i32 to index
      %get3A_74 = tpu.vector_load %arg6[%get3A_73] {strides = array<i32>} : memref<2048xi32, #tpu.memory_space<vmem>>, vector<16xi32>,
      %mul3A_75 = arith.constant 20 : i32
      %mul3A_76 = vector.broadcast %mul3A_75 : i32 to vector<16xi32>
      %mul3A_77 = arith.muli %get3A_56, %mul3A_76 : vector<16xi32>
      %add3A_78 = arith.constant 0 : i32
      %add3A_79 = vector.broadcast %add3A_78 : i32 to vector<16xi32>
      %add3A_80 = arith.addi %mul3A_77, %add3A_79 : vector<16xi32>
      %gather3A = tpu.vector_load_idx %arg7[%add3A_80] : memref<20000xf32, #tpu.memory_space<vmem>>[vector<16xi32>], vector<16xf32>,
      %mul3A_81 = arith.constant 64 : i32
      %mul3A_82 = arith.muli %scan3A_51, %mul3A_81 : i32
      %add3A_83 = arith.constant 0 : i32
      %add3A_84 = arith.addi %mul3A_82, %add3A_83 : i32
      %swap3A = arith.constant 0 : i32
      %swap3A_85 = arith.index_cast %swap3A : i32 to index
      %swap3A_86 = arith.index_cast %add3A_84 : i32 to index
      %swap3A_87 = tpu.vector_load %arg8[%swap3A_85, %swap3A_86] {strides = array<i32>} : memref<20x2048xf32, #tpu.memory_space<vmem>>, vector<16xf32>,
      tpu.vector_store %arg8[%swap3A_85, %swap3A_86], %gather3A {strides = array<i32>} : memref<20x2048xf32, #tpu.memory_space<vmem>>, vector<16xf32>,
      %add3A_88 = arith.constant 1 : i32
      %add3A_89 = vector.broadcast %add3A_88 : i32 to vector<16xi32>
      %add3A_90 = arith.addi %mul3A_77, %add3A_89 : vector<16xi32>
      %gather3A_91 = tpu.vector_load_idx %arg7[%add3A_90] : memref<20000xf32, #tpu.memory_space<vmem>>[vector<16xi32>], vector<16xf32>,
      %mul3A_92 = arith.constant 64 : i32
      %mul3A_93 = arith.muli %scan3A_51, %mul3A_92 : i32
      %add3A_94 = arith.constant 0 : i32
      %add3A_95 = arith.addi %mul3A_93, %add3A_94 : i32
      %swap3A_96 = arith.constant 1 : i32
      %swap3A_97 = arith.index_cast %swap3A_96 : i32 to index
      %swap3A_98 = arith.index_cast %add3A_95 : i32 to index
      %swap3A_99 = tpu.vector_load %arg8[%swap3A_97, %swap3A_98] {strides = array<i32>} : memref<20x2048xf32, #tpu.memory_space<vmem>>, vector<16xf32>,
      tpu.vector_store %arg8[%swap3A_97, %swap3A_98], %gather3A_91 {strides = array<i32>} : memref<20x2048xf32, #tpu.memory_space<vmem>>, vector<16xf32>,
      %add3A_100 = arith.constant 2 : i32
      %add3A_101 = vector.broadcast %add3A_100 : i32 to vector<16xi32>
      %add3A_102 = arith.addi %mul3A_77, %add3A_101 : vector<16xi32>
      %gather3A_103 = tpu.vector_load_idx %arg7[%add3A_102] : memref<20000xf32, #tpu.memory_space<vmem>>[vector<16xi32>], vector<16xf32>,
      %mul3A_104 = arith.constant 64 : i32
      %mul3A_105 = arith.muli %scan3A_51, %mul3A_104 : i32
      %add3A_106 = arith.constant 0 : i32
      %add3A_107 = arith.addi %mul3A_105, %add3A_106 : i32
      %swap3A_108 = arith.constant 2 : i32
      %swap3A_109 = arith.index_cast %swap3A_108 : i32 to index
      %swap3A_110 = arith.index_cast %add3A_107 : i32 to index
      %swap3A_111 = tpu.vector_load %arg8[%swap3A_109, %swap3A_110] {strides = array<i32>} : memref<20x2048xf32, #tpu.memory_space<vmem>>, vector<16xf32>,
      tpu.vector_store %arg8[%swap3A_109, %swap3A_110], %gather3A_103 {strides = array<i32>} : memref<20x2048xf32, #tpu.memory_space<vmem>>, vector<16xf32>,
      %add3A_112 = arith.constant 3 : i32
      %add3A_113 = vector.broadcast %add3A_112 : i32 to vector<16xi32>
      %add3A_114 = arith.addi %mul3A_77, %add3A_113 : vector<16xi32>
      %gather3A_115 = tpu.vector_load_idx %arg7[%add3A_114] : memref<20000xf32, #tpu.memory_space<vmem>>[vector<16xi32>], vector<16xf32>,
      %mul3A_116 = arith.constant 64 : i32
      %mul3A_117 = arith.muli %scan3A_51, %mul3A_116 : i32
      %add3A_118 = arith.constant 0 : i32
      %add3A_119 = arith.addi %mul3A_117, %add3A_118 : i32
      %swap3A_120 = arith.constant 3 : i32
      %swap3A_121 = arith.index_cast %swap3A_120 : i32 to index
      %swap3A_122 = arith.index_cast %add3A_119 : i32 to index
      %swap3A_123 = tpu.vector_load %arg8[%swap3A_121, %swap3A_122] {strides = array<i32>} : memref<20x2048xf32, #tpu.memory_space<vmem>>, vector<16xf32>,
      tpu.vector_store %arg8[%swap3A_121, %swap3A_122], %gather3A_115 {strides = array<i32>} : memref<20x2048xf32, #tpu.memory_space<vmem>>, vector<16xf32>,
      %add3A_124 = arith.constant 4 : i32
      %add3A_125 = vector.broadcast %add3A_124 : i32 to vector<16xi32>
      %add3A_126 = arith.addi %mul3A_77, %add3A_125 : vector<16xi32>
      %gather3A_127 = tpu.vector_load_idx %arg7[%add3A_126] : memref<20000xf32, #tpu.memory_space<vmem>>[vector<16xi32>], vector<16xf32>,
      %mul3A_128 = arith.constant 64 : i32
      %mul3A_129 = arith.muli %scan3A_51, %mul3A_128 : i32
      %add3A_130 = arith.constant 0 : i32
      %add3A_131 = arith.addi %mul3A_129, %add3A_130 : i32
      %swap3A_132 = arith.constant 4 : i32
      %swap3A_133 = arith.index_cast %swap3A_132 : i32 to index
      %swap3A_134 = arith.index_cast %add3A_131 : i32 to index
      %swap3A_135 = tpu.vector_load %arg8[%swap3A_133, %swap3A_134] {strides = array<i32>} : memref<20x2048xf32, #tpu.memory_space<vmem>>, vector<16xf32>,
      tpu.vector_store %arg8[%swap3A_133, %swap3A_134], %gather3A_127 {strides = array<i32>} : memref<20x2048xf32, #tpu.memory_space<vmem>>, vector<16xf32>,
      %add3A_136 = arith.constant 5 : i32
      %add3A_137 = vector.broadcast %add3A_136 : i32 to vector<16xi32>
      %add3A_138 = arith.addi %mul3A_77, %add3A_137 : vector<16xi32>
      %gather3A_139 = tpu.vector_load_idx %arg7[%add3A_138] : memref<20000xf32, #tpu.memory_space<vmem>>[vector<16xi32>], vector<16xf32>,
      %mul3A_140 = arith.constant 64 : i32
      %mul3A_141 = arith.muli %scan3A_51, %mul3A_140 : i32
      %add3A_142 = arith.constant 0 : i32
      %add3A_143 = arith.addi %mul3A_141, %add3A_142 : i32
      %swap3A_144 = arith.constant 5 : i32
      %swap3A_145 = arith.index_cast %swap3A_144 : i32 to index
      %swap3A_146 = arith.index_cast %add3A_143 : i32 to index
      %swap3A_147 = tpu.vector_load %arg8[%swap3A_145, %swap3A_146] {strides = array<i32>} : memref<20x2048xf32, #tpu.memory_space<vmem>>, vector<16xf32>,
      tpu.vector_store %arg8[%swap3A_145, %swap3A_146], %gather3A_139 {strides = array<i32>} : memref<20x2048xf32, #tpu.memory_space<vmem>>, vector<16xf32>,
      %add3A_148 = arith.constant 6 : i32
      %add3A_149 = vector.broadcast %add3A_148 : i32 to vector<16xi32>
      %add3A_150 = arith.addi %mul3A_77, %add3A_149 : vector<16xi32>
      %gather3A_151 = tpu.vector_load_idx %arg7[%add3A_150] : memref<20000xf32, #tpu.memory_space<vmem>>[vector<16xi32>], vector<16xf32>,
      %mul3A_152 = arith.constant 64 : i32
      %mul3A_153 = arith.muli %scan3A_51, %mul3A_152 : i32
      %add3A_154 = arith.constant 0 : i32
      %add3A_155 = arith.addi %mul3A_153, %add3A_154 : i32
      %swap3A_156 = arith.constant 6 : i32
      %swap3A_157 = arith.index_cast %swap3A_156 : i32 to index
      %swap3A_158 = arith.index_cast %add3A_155 : i32 to index
      %swap3A_159 = tpu.vector_load %arg8[%swap3A_157, %swap3A_158] {strides = array<i32>} : memref<20x2048xf32, #tpu.memory_space<vmem>>, vector<16xf32>,
      tpu.vector_store %arg8[%swap3A_157, %swap3A_158], %gather3A_151 {strides = array<i32>} : memref<20x2048xf32, #tpu.memory_space<vmem>>, vector<16xf32>,
      %add3A_160 = arith.constant 7 : i32
      %add3A_161 = vector.broadcast %add3A_160 : i32 to vector<16xi32>
      %add3A_162 = arith.addi %mul3A_77, %add3A_161 : vector<16xi32>
      %gather3A_163 = tpu.vector_load_idx %arg7[%add3A_162] : memref<20000xf32, #tpu.memory_space<vmem>>[vector<16xi32>], vector<16xf32>,
      %mul3A_164 = arith.constant 64 : i32
      %mul3A_165 = arith.muli %scan3A_51, %mul3A_164 : i32
      %add3A_166 = arith.constant 0 : i32
      %add3A_167 = arith.addi %mul3A_165, %add3A_166 : i32
      %swap3A_168 = arith.constant 7 : i32
      %swap3A_169 = arith.index_cast %swap3A_168 : i32 to index
      %swap3A_170 = arith.index_cast %add3A_167 : i32 to index
      %swap3A_171 = tpu.vector_load %arg8[%swap3A_169, %swap3A_170] {strides = array<i32>} : memref<20x2048xf32, #tpu.memory_space<vmem>>, vector<16xf32>,
      tpu.vector_store %arg8[%swap3A_169, %swap3A_170], %gather3A_163 {strides = array<i32>} : memref<20x2048xf32, #tpu.memory_space<vmem>>, vector<16xf32>,
      %add3A_172 = arith.constant 8 : i32
      %add3A_173 = vector.broadcast %add3A_172 : i32 to vector<16xi32>
      %add3A_174 = arith.addi %mul3A_77, %add3A_173 : vector<16xi32>
      %gather3A_175 = tpu.vector_load_idx %arg7[%add3A_174] : memref<20000xf32, #tpu.memory_space<vmem>>[vector<16xi32>], vector<16xf32>,
      %mul3A_176 = arith.constant 64 : i32
      %mul3A_177 = arith.muli %scan3A_51, %mul3A_176 : i32
      %add3A_178 = arith.constant 0 : i32
      %add3A_179 = arith.addi %mul3A_177, %add3A_178 : i32
      %swap3A_180 = arith.constant 8 : i32
      %swap3A_181 = arith.index_cast %swap3A_180 : i32 to index
      %swap3A_182 = arith.index_cast %add3A_179 : i32 to index
      %swap3A_183 = tpu.vector_load %arg8[%swap3A_181, %swap3A_182] {strides = array<i32>} : memref<20x2048xf32, #tpu.memory_space<vmem>>, vector<16xf32>,
      tpu.vector_store %arg8[%swap3A_181, %swap3A_182], %gather3A_175 {strides = array<i32>} : memref<20x2048xf32, #tpu.memory_space<vmem>>, vector<16xf32>,
      %add3A_184 = arith.constant 9 : i32
      %add3A_185 = vector.broadcast %add3A_184 : i32 to vector<16xi32>
      %add3A_186 = arith.addi %mul3A_77, %add3A_185 : vector<16xi32>
      %gather3A_187 = tpu.vector_load_idx %arg7[%add3A_186] : memref<20000xf32, #tpu.memory_space<vmem>>[vector<16xi32>], vector<16xf32>,
      %mul3A_188 = arith.constant 64 : i32
      %mul3A_189 = arith.muli %scan3A_51, %mul3A_188 : i32
      %add3A_190 = arith.constant 0 : i32
      %add3A_191 = arith.addi %mul3A_189, %add3A_190 : i32
      %swap3A_192 = arith.constant 9 : i32
      %swap3A_193 = arith.index_cast %swap3A_192 : i32 to index
      %swap3A_194 = arith.index_cast %add3A_191 : i32 to index
      %swap3A_195 = tpu.vector_load %arg8[%swap3A_193, %swap3A_194] {strides = array<i32>} : memref<20x2048xf32, #tpu.memory_space<vmem>>, vector<16xf32>,
      tpu.vector_store %arg8[%swap3A_193, %swap3A_194], %gather3A_187 {strides = array<i32>} : memref<20x2048xf32, #tpu.memory_space<vmem>>, vector<16xf32>,
      %add3A_196 = arith.constant 10 : i32
      %add3A_197 = vector.broadcast %add3A_196 : i32 to vector<16xi32>
      %add3A_198 = arith.addi %mul3A_77, %add3A_197 : vector<16xi32>
      %gather3A_199 = tpu.vector_load_idx %arg7[%add3A_198] : memref<20000xf32, #tpu.memory_space<vmem>>[vector<16xi32>], vector<16xf32>,
      %mul3A_200 = arith.constant 64 : i32
      %mul3A_201 = arith.muli %scan3A_51, %mul3A_200 : i32
      %add3A_202 = arith.constant 0 : i32
      %add3A_203 = arith.addi %mul3A_201, %add3A_202 : i32
      %swap3A_204 = arith.constant 10 : i32
      %swap3A_205 = arith.index_cast %swap3A_204 : i32 to index
      %swap3A_206 = arith.index_cast %add3A_203 : i32 to index
      %swap3A_207 = tpu.vector_load %arg8[%swap3A_205, %swap3A_206] {strides = array<i32>} : memref<20x2048xf32, #tpu.memory_space<vmem>>, vector<16xf32>,
      tpu.vector_store %arg8[%swap3A_205, %swap3A_206], %gather3A_199 {strides = array<i32>} : memref<20x2048xf32, #tpu.memory_space<vmem>>, vector<16xf32>,
      %add3A_208 = arith.constant 11 : i32
      %add3A_209 = vector.broadcast %add3A_208 : i32 to vector<16xi32>
      %add3A_210 = arith.addi %mul3A_77, %add3A_209 : vector<16xi32>
      %gather3A_211 = tpu.vector_load_idx %arg7[%add3A_210] : memref<20000xf32, #tpu.memory_space<vmem>>[vector<16xi32>], vector<16xf32>,
      %mul3A_212 = arith.constant 64 : i32
      %mul3A_213 = arith.muli %scan3A_51, %mul3A_212 : i32
      %add3A_214 = arith.constant 0 : i32
      %add3A_215 = arith.addi %mul3A_213, %add3A_214 : i32
      %swap3A_216 = arith.constant 11 : i32
      %swap3A_217 = arith.index_cast %swap3A_216 : i32 to index
      %swap3A_218 = arith.index_cast %add3A_215 : i32 to index
      %swap3A_219 = tpu.vector_load %arg8[%swap3A_217, %swap3A_218] {strides = array<i32>} : memref<20x2048xf32, #tpu.memory_space<vmem>>, vector<16xf32>,
      tpu.vector_store %arg8[%swap3A_217, %swap3A_218], %gather3A_211 {strides = array<i32>} : memref<20x2048xf32, #tpu.memory_space<vmem>>, vector<16xf32>,
      %add3A_220 = arith.constant 12 : i32
      %add3A_221 = vector.broadcast %add3A_220 : i32 to vector<16xi32>
      %add3A_222 = arith.addi %mul3A_77, %add3A_221 : vector<16xi32>
      %gather3A_223 = tpu.vector_load_idx %arg7[%add3A_222] : memref<20000xf32, #tpu.memory_space<vmem>>[vector<16xi32>], vector<16xf32>,
      %mul3A_224 = arith.constant 64 : i32
      %mul3A_225 = arith.muli %scan3A_51, %mul3A_224 : i32
      %add3A_226 = arith.constant 0 : i32
      %add3A_227 = arith.addi %mul3A_225, %add3A_226 : i32
      %swap3A_228 = arith.constant 12 : i32
      %swap3A_229 = arith.index_cast %swap3A_228 : i32 to index
      %swap3A_230 = arith.index_cast %add3A_227 : i32 to index
      %swap3A_231 = tpu.vector_load %arg8[%swap3A_229, %swap3A_230] {strides = array<i32>} : memref<20x2048xf32, #tpu.memory_space<vmem>>, vector<16xf32>,
      tpu.vector_store %arg8[%swap3A_229, %swap3A_230], %gather3A_223 {strides = array<i32>} : memref<20x2048xf32, #tpu.memory_space<vmem>>, vector<16xf32>,
      %add3A_232 = arith.constant 13 : i32
      %add3A_233 = vector.broadcast %add3A_232 : i32 to vector<16xi32>
      %add3A_234 = arith.addi %mul3A_77, %add3A_233 : vector<16xi32>
      %gather3A_235 = tpu.vector_load_idx %arg7[%add3A_234] : memref<20000xf32, #tpu.memory_space<vmem>>[vector<16xi32>], vector<16xf32>,
      %mul3A_236 = arith.constant 64 : i32
      %mul3A_237 = arith.muli %scan3A_51, %mul3A_236 : i32
      %add3A_238 = arith.constant 0 : i32
      %add3A_239 = arith.addi %mul3A_237, %add3A_238 : i32
      %swap3A_240 = arith.constant 13 : i32
      %swap3A_241 = arith.index_cast %swap3A_240 : i32 to index
      %swap3A_242 = arith.index_cast %add3A_239 : i32 to index
      %swap3A_243 = tpu.vector_load %arg8[%swap3A_241, %swap3A_242] {strides = array<i32>} : memref<20x2048xf32, #tpu.memory_space<vmem>>, vector<16xf32>,
      tpu.vector_store %arg8[%swap3A_241, %swap3A_242], %gather3A_235 {strides = array<i32>} : memref<20x2048xf32, #tpu.memory_space<vmem>>, vector<16xf32>,
      %add3A_244 = arith.constant 14 : i32
      %add3A_245 = vector.broadcast %add3A_244 : i32 to vector<16xi32>
      %add3A_246 = arith.addi %mul3A_77, %add3A_245 : vector<16xi32>
      %gather3A_247 = tpu.vector_load_idx %arg7[%add3A_246] : memref<20000xf32, #tpu.memory_space<vmem>>[vector<16xi32>], vector<16xf32>,
      %mul3A_248 = arith.constant 64 : i32
      %mul3A_249 = arith.muli %scan3A_51, %mul3A_248 : i32
      %add3A_250 = arith.constant 0 : i32
      %add3A_251 = arith.addi %mul3A_249, %add3A_250 : i32
      %swap3A_252 = arith.constant 14 : i32
      %swap3A_253 = arith.index_cast %swap3A_252 : i32 to index
      %swap3A_254 = arith.index_cast %add3A_251 : i32 to index
      %swap3A_255 = tpu.vector_load %arg8[%swap3A_253, %swap3A_254] {strides = array<i32>} : memref<20x2048xf32, #tpu.memory_space<vmem>>, vector<16xf32>,
      tpu.vector_store %arg8[%swap3A_253, %swap3A_254], %gather3A_247 {strides = array<i32>} : memref<20x2048xf32, #tpu.memory_space<vmem>>, vector<16xf32>,
      %add3A_256 = arith.constant 15 : i32
      %add3A_257 = vector.broadcast %add3A_256 : i32 to vector<16xi32>
      %add3A_258 = arith.addi %mul3A_77, %add3A_257 : vector<16xi32>
      %gather3A_259 = tpu.vector_load_idx %arg7[%add3A_258] : memref<20000xf32, #tpu.memory_space<vmem>>[vector<16xi32>], vector<16xf32>,
      %mul3A_260 = arith.constant 64 : i32
      %mul3A_261 = arith.muli %scan3A_51, %mul3A_260 : i32
      %add3A_262 = arith.constant 0 : i32
      %add3A_263 = arith.addi %mul3A_261, %add3A_262 : i32
      %swap3A_264 = arith.constant 15 : i32
      %swap3A_265 = arith.index_cast %swap3A_264 : i32 to index
      %swap3A_266 = arith.index_cast %add3A_263 : i32 to index
      %swap3A_267 = tpu.vector_load %arg8[%swap3A_265, %swap3A_266] {strides = array<i32>} : memref<20x2048xf32, #tpu.memory_space<vmem>>, vector<16xf32>,
      tpu.vector_store %arg8[%swap3A_265, %swap3A_266], %gather3A_259 {strides = array<i32>} : memref<20x2048xf32, #tpu.memory_space<vmem>>, vector<16xf32>,
      %add3A_268 = arith.constant 16 : i32
      %add3A_269 = vector.broadcast %add3A_268 : i32 to vector<16xi32>
      %add3A_270 = arith.addi %mul3A_77, %add3A_269 : vector<16xi32>
      %gather3A_271 = tpu.vector_load_idx %arg7[%add3A_270] : memref<20000xf32, #tpu.memory_space<vmem>>[vector<16xi32>], vector<16xf32>,
      %mul3A_272 = arith.constant 64 : i32
      %mul3A_273 = arith.muli %scan3A_51, %mul3A_272 : i32
      %add3A_274 = arith.constant 0 : i32
      %add3A_275 = arith.addi %mul3A_273, %add3A_274 : i32
      %swap3A_276 = arith.constant 16 : i32
      %swap3A_277 = arith.index_cast %swap3A_276 : i32 to index
      %swap3A_278 = arith.index_cast %add3A_275 : i32 to index
      %swap3A_279 = tpu.vector_load %arg8[%swap3A_277, %swap3A_278] {strides = array<i32>} : memref<20x2048xf32, #tpu.memory_space<vmem>>, vector<16xf32>,
      tpu.vector_store %arg8[%swap3A_277, %swap3A_278], %gather3A_271 {strides = array<i32>} : memref<20x2048xf32, #tpu.memory_space<vmem>>, vector<16xf32>,
      %add3A_280 = arith.constant 17 : i32
      %add3A_281 = vector.broadcast %add3A_280 : i32 to vector<16xi32>
      %add3A_282 = arith.addi %mul3A_77, %add3A_281 : vector<16xi32>
      %gather3A_283 = tpu.vector_load_idx %arg7[%add3A_282] : memref<20000xf32, #tpu.memory_space<vmem>>[vector<16xi32>], vector<16xf32>,
      %mul3A_284 = arith.constant 64 : i32
      %mul3A_285 = arith.muli %scan3A_51, %mul3A_284 : i32
      %add3A_286 = arith.constant 0 : i32
      %add3A_287 = arith.addi %mul3A_285, %add3A_286 : i32
      %swap3A_288 = arith.constant 17 : i32
      %swap3A_289 = arith.index_cast %swap3A_288 : i32 to index
      %swap3A_290 = arith.index_cast %add3A_287 : i32 to index
      %swap3A_291 = tpu.vector_load %arg8[%swap3A_289, %swap3A_290] {strides = array<i32>} : memref<20x2048xf32, #tpu.memory_space<vmem>>, vector<16xf32>,
      tpu.vector_store %arg8[%swap3A_289, %swap3A_290], %gather3A_283 {strides = array<i32>} : memref<20x2048xf32, #tpu.memory_space<vmem>>, vector<16xf32>,
      %add3A_292 = arith.constant 18 : i32
      %add3A_293 = vector.broadcast %add3A_292 : i32 to vector<16xi32>
      %add3A_294 = arith.addi %mul3A_77, %add3A_293 : vector<16xi32>
      %gather3A_295 = tpu.vector_load_idx %arg7[%add3A_294] : memref<20000xf32, #tpu.memory_space<vmem>>[vector<16xi32>], vector<16xf32>,
      %mul3A_296 = arith.constant 64 : i32
      %mul3A_297 = arith.muli %scan3A_51, %mul3A_296 : i32
      %add3A_298 = arith.constant 0 : i32
      %add3A_299 = arith.addi %mul3A_297, %add3A_298 : i32
      %swap3A_300 = arith.constant 18 : i32
      %swap3A_301 = arith.index_cast %swap3A_300 : i32 to index
      %swap3A_302 = arith.index_cast %add3A_299 : i32 to index
      %swap3A_303 = tpu.vector_load %arg8[%swap3A_301, %swap3A_302] {strides = array<i32>} : memref<20x2048xf32, #tpu.memory_space<vmem>>, vector<16xf32>,
      tpu.vector_store %arg8[%swap3A_301, %swap3A_302], %gather3A_295 {strides = array<i32>} : memref<20x2048xf32, #tpu.memory_space<vmem>>, vector<16xf32>,
      %add3A_304 = arith.constant 19 : i32
      %add3A_305 = vector.broadcast %add3A_304 : i32 to vector<16xi32>
      %add3A_306 = arith.addi %mul3A_77, %add3A_305 : vector<16xi32>
      %gather3A_307 = tpu.vector_load_idx %arg7[%add3A_306] : memref<20000xf32, #tpu.memory_space<vmem>>[vector<16xi32>], vector<16xf32>,
      %mul3A_308 = arith.constant 64 : i32
      %mul3A_309 = arith.muli %scan3A_51, %mul3A_308 : i32
      %add3A_310 = arith.constant 0 : i32
      %add3A_311 = arith.addi %mul3A_309, %add3A_310 : i32
      %swap3A_312 = arith.constant 19 : i32
      %swap3A_313 = arith.index_cast %swap3A_312 : i32 to index
      %swap3A_314 = arith.index_cast %add3A_311 : i32 to index
      %swap3A_315 = tpu.vector_load %arg8[%swap3A_313, %swap3A_314] {strides = array<i32>} : memref<20x2048xf32, #tpu.memory_space<vmem>>, vector<16xf32>,
      tpu.vector_store %arg8[%swap3A_313, %swap3A_314], %gather3A_307 {strides = array<i32>} : memref<20x2048xf32, #tpu.memory_space<vmem>>, vector<16xf32>,
      %mul3A_316 = arith.constant 20 : i32
      %mul3A_317 = vector.broadcast %mul3A_316 : i32 to vector<16xi32>
      %mul3A_318 = arith.muli %get3A_62, %mul3A_317 : vector<16xi32>
      %add3A_319 = arith.constant 0 : i32
      %add3A_320 = vector.broadcast %add3A_319 : i32 to vector<16xi32>
      %add3A_321 = arith.addi %mul3A_318, %add3A_320 : vector<16xi32>
      %gather3A_322 = tpu.vector_load_idx %arg7[%add3A_321] : memref<20000xf32, #tpu.memory_space<vmem>>[vector<16xi32>], vector<16xf32>,
      %mul3A_323 = arith.constant 64 : i32
      %mul3A_324 = arith.muli %scan3A_51, %mul3A_323 : i32
      %add3A_325 = arith.constant 16 : i32
      %add3A_326 = arith.addi %mul3A_324, %add3A_325 : i32
      %swap3A_327 = arith.constant 0 : i32
      %swap3A_328 = arith.index_cast %swap3A_327 : i32 to index
      %swap3A_329 = arith.index_cast %add3A_326 : i32 to index
      %swap3A_330 = tpu.vector_load %arg8[%swap3A_328, %swap3A_329] {strides = array<i32>} : memref<20x2048xf32, #tpu.memory_space<vmem>>, vector<16xf32>,
      tpu.vector_store %arg8[%swap3A_328, %swap3A_329], %gather3A_322 {strides = array<i32>} : memref<20x2048xf32, #tpu.memory_space<vmem>>, vector<16xf32>,
      %add3A_331 = arith.constant 1 : i32
      %add3A_332 = vector.broadcast %add3A_331 : i32 to vector<16xi32>
      %add3A_333 = arith.addi %mul3A_318, %add3A_332 : vector<16xi32>
      %gather3A_334 = tpu.vector_load_idx %arg7[%add3A_333] : memref<20000xf32, #tpu.memory_space<vmem>>[vector<16xi32>], vector<16xf32>,
      %mul3A_335 = arith.constant 64 : i32
      %mul3A_336 = arith.muli %scan3A_51, %mul3A_335 : i32
      %add3A_337 = arith.constant 16 : i32
      %add3A_338 = arith.addi %mul3A_336, %add3A_337 : i32
      %swap3A_339 = arith.constant 1 : i32
      %swap3A_340 = arith.index_cast %swap3A_339 : i32 to index
      %swap3A_341 = arith.index_cast %add3A_338 : i32 to index
      %swap3A_342 = tpu.vector_load %arg8[%swap3A_340, %swap3A_341] {strides = array<i32>} : memref<20x2048xf32, #tpu.memory_space<vmem>>, vector<16xf32>,
      tpu.vector_store %arg8[%swap3A_340, %swap3A_341], %gather3A_334 {strides = array<i32>} : memref<20x2048xf32, #tpu.memory_space<vmem>>, vector<16xf32>,
      %add3A_343 = arith.constant 2 : i32
      %add3A_344 = vector.broadcast %add3A_343 : i32 to vector<16xi32>
      %add3A_345 = arith.addi %mul3A_318, %add3A_344 : vector<16xi32>
      %gather3A_346 = tpu.vector_load_idx %arg7[%add3A_345] : memref<20000xf32, #tpu.memory_space<vmem>>[vector<16xi32>], vector<16xf32>,
      %mul3A_347 = arith.constant 64 : i32
      %mul3A_348 = arith.muli %scan3A_51, %mul3A_347 : i32
      %add3A_349 = arith.constant 16 : i32
      %add3A_350 = arith.addi %mul3A_348, %add3A_349 : i32
      %swap3A_351 = arith.constant 2 : i32
      %swap3A_352 = arith.index_cast %swap3A_351 : i32 to index
      %swap3A_353 = arith.index_cast %add3A_350 : i32 to index
      %swap3A_354 = tpu.vector_load %arg8[%swap3A_352, %swap3A_353] {strides = array<i32>} : memref<20x2048xf32, #tpu.memory_space<vmem>>, vector<16xf32>,
      tpu.vector_store %arg8[%swap3A_352, %swap3A_353], %gather3A_346 {strides = array<i32>} : memref<20x2048xf32, #tpu.memory_space<vmem>>, vector<16xf32>,
      %add3A_355 = arith.constant 3 : i32
      %add3A_356 = vector.broadcast %add3A_355 : i32 to vector<16xi32>
      %add3A_357 = arith.addi %mul3A_318, %add3A_356 : vector<16xi32>
      %gather3A_358 = tpu.vector_load_idx %arg7[%add3A_357] : memref<20000xf32, #tpu.memory_space<vmem>>[vector<16xi32>], vector<16xf32>,
      %mul3A_359 = arith.constant 64 : i32
      %mul3A_360 = arith.muli %scan3A_51, %mul3A_359 : i32
      %add3A_361 = arith.constant 16 : i32
      %add3A_362 = arith.addi %mul3A_360, %add3A_361 : i32
      %swap3A_363 = arith.constant 3 : i32
      %swap3A_364 = arith.index_cast %swap3A_363 : i32 to index
      %swap3A_365 = arith.index_cast %add3A_362 : i32 to index
      %swap3A_366 = tpu.vector_load %arg8[%swap3A_364, %swap3A_365] {strides = array<i32>} : memref<20x2048xf32, #tpu.memory_space<vmem>>, vector<16xf32>,
      tpu.vector_store %arg8[%swap3A_364, %swap3A_365], %gather3A_358 {strides = array<i32>} : memref<20x2048xf32, #tpu.memory_space<vmem>>, vector<16xf32>,
      %add3A_367 = arith.constant 4 : i32
      %add3A_368 = vector.broadcast %add3A_367 : i32 to vector<16xi32>
      %add3A_369 = arith.addi %mul3A_318, %add3A_368 : vector<16xi32>
      %gather3A_370 = tpu.vector_load_idx %arg7[%add3A_369] : memref<20000xf32, #tpu.memory_space<vmem>>[vector<16xi32>], vector<16xf32>,
      %mul3A_371 = arith.constant 64 : i32
      %mul3A_372 = arith.muli %scan3A_51, %mul3A_371 : i32
      %add3A_373 = arith.constant 16 : i32
      %add3A_374 = arith.addi %mul3A_372, %add3A_373 : i32
      %swap3A_375 = arith.constant 4 : i32
      %swap3A_376 = arith.index_cast %swap3A_375 : i32 to index
      %swap3A_377 = arith.index_cast %add3A_374 : i32 to index
      %swap3A_378 = tpu.vector_load %arg8[%swap3A_376, %swap3A_377] {strides = array<i32>} : memref<20x2048xf32, #tpu.memory_space<vmem>>, vector<16xf32>,
      tpu.vector_store %arg8[%swap3A_376, %swap3A_377], %gather3A_370 {strides = array<i32>} : memref<20x2048xf32, #tpu.memory_space<vmem>>, vector<16xf32>,
      %add3A_379 = arith.constant 5 : i32
      %add3A_380 = vector.broadcast %add3A_379 : i32 to vector<16xi32>
      %add3A_381 = arith.addi %mul3A_318, %add3A_380 : vector<16xi32>
      %gather3A_382 = tpu.vector_load_idx %arg7[%add3A_381] : memref<20000xf32, #tpu.memory_space<vmem>>[vector<16xi32>], vector<16xf32>,
      %mul3A_383 = arith.constant 64 : i32
      %mul3A_384 = arith.muli %scan3A_51, %mul3A_383 : i32
      %add3A_385 = arith.constant 16 : i32
      %add3A_386 = arith.addi %mul3A_384, %add3A_385 : i32
      %swap3A_387 = arith.constant 5 : i32
      %swap3A_388 = arith.index_cast %swap3A_387 : i32 to index
      %swap3A_389 = arith.index_cast %add3A_386 : i32 to index
      %swap3A_390 = tpu.vector_load %arg8[%swap3A_388, %swap3A_389] {strides = array<i32>} : memref<20x2048xf32, #tpu.memory_space<vmem>>, vector<16xf32>,
      tpu.vector_store %arg8[%swap3A_388, %swap3A_389], %gather3A_382 {strides = array<i32>} : memref<20x2048xf32, #tpu.memory_space<vmem>>, vector<16xf32>,
      %add3A_391 = arith.constant 6 : i32
      %add3A_392 = vector.broadcast %add3A_391 : i32 to vector<16xi32>
      %add3A_393 = arith.addi %mul3A_318, %add3A_392 : vector<16xi32>
      %gather3A_394 = tpu.vector_load_idx %arg7[%add3A_393] : memref<20000xf32, #tpu.memory_space<vmem>>[vector<16xi32>], vector<16xf32>,
      %mul3A_395 = arith.constant 64 : i32
      %mul3A_396 = arith.muli %scan3A_51, %mul3A_395 : i32
      %add3A_397 = arith.constant 16 : i32
      %add3A_398 = arith.addi %mul3A_396, %add3A_397 : i32
      %swap3A_399 = arith.constant 6 : i32
      %swap3A_400 = arith.index_cast %swap3A_399 : i32 to index
      %swap3A_401 = arith.index_cast %add3A_398 : i32 to index
      %swap3A_402 = tpu.vector_load %arg8[%swap3A_400, %swap3A_401] {strides = array<i32>} : memref<20x2048xf32, #tpu.memory_space<vmem>>, vector<16xf32>,
      tpu.vector_store %arg8[%swap3A_400, %swap3A_401], %gather3A_394 {strides = array<i32>} : memref<20x2048xf32, #tpu.memory_space<vmem>>, vector<16xf32>,
      %add3A_403 = arith.constant 7 : i32
      %add3A_404 = vector.broadcast %add3A_403 : i32 to vector<16xi32>
      %add3A_405 = arith.addi %mul3A_318, %add3A_404 : vector<16xi32>
      %gather3A_406 = tpu.vector_load_idx %arg7[%add3A_405] : memref<20000xf32, #tpu.memory_space<vmem>>[vector<16xi32>], vector<16xf32>,
      %mul3A_407 = arith.constant 64 : i32
      %mul3A_408 = arith.muli %scan3A_51, %mul3A_407 : i32
      %add3A_409 = arith.constant 16 : i32
      %add3A_410 = arith.addi %mul3A_408, %add3A_409 : i32
      %swap3A_411 = arith.constant 7 : i32
      %swap3A_412 = arith.index_cast %swap3A_411 : i32 to index
      %swap3A_413 = arith.index_cast %add3A_410 : i32 to index
      %swap3A_414 = tpu.vector_load %arg8[%swap3A_412, %swap3A_413] {strides = array<i32>} : memref<20x2048xf32, #tpu.memory_space<vmem>>, vector<16xf32>,
      tpu.vector_store %arg8[%swap3A_412, %swap3A_413], %gather3A_406 {strides = array<i32>} : memref<20x2048xf32, #tpu.memory_space<vmem>>, vector<16xf32>,
      %add3A_415 = arith.constant 8 : i32
      %add3A_416 = vector.broadcast %add3A_415 : i32 to vector<16xi32>
      %add3A_417 = arith.addi %mul3A_318, %add3A_416 : vector<16xi32>
      %gather3A_418 = tpu.vector_load_idx %arg7[%add3A_417] : memref<20000xf32, #tpu.memory_space<vmem>>[vector<16xi32>], vector<16xf32>,
      %mul3A_419 = arith.constant 64 : i32
      %mul3A_420 = arith.muli %scan3A_51, %mul3A_419 : i32
      %add3A_421 = arith.constant 16 : i32
      %add3A_422 = arith.addi %mul3A_420, %add3A_421 : i32
      %swap3A_423 = arith.constant 8 : i32
      %swap3A_424 = arith.index_cast %swap3A_423 : i32 to index
      %swap3A_425 = arith.index_cast %add3A_422 : i32 to index
      %swap3A_426 = tpu.vector_load %arg8[%swap3A_424, %swap3A_425] {strides = array<i32>} : memref<20x2048xf32, #tpu.memory_space<vmem>>, vector<16xf32>,
      tpu.vector_store %arg8[%swap3A_424, %swap3A_425], %gather3A_418 {strides = array<i32>} : memref<20x2048xf32, #tpu.memory_space<vmem>>, vector<16xf32>,
      %add3A_427 = arith.constant 9 : i32
      %add3A_428 = vector.broadcast %add3A_427 : i32 to vector<16xi32>
      %add3A_429 = arith.addi %mul3A_318, %add3A_428 : vector<16xi32>
      %gather3A_430 = tpu.vector_load_idx %arg7[%add3A_429] : memref<20000xf32, #tpu.memory_space<vmem>>[vector<16xi32>], vector<16xf32>,
      %mul3A_431 = arith.constant 64 : i32
      %mul3A_432 = arith.muli %scan3A_51, %mul3A_431 : i32
      %add3A_433 = arith.constant 16 : i32
      %add3A_434 = arith.addi %mul3A_432, %add3A_433 : i32
      %swap3A_435 = arith.constant 9 : i32
      %swap3A_436 = arith.index_cast %swap3A_435 : i32 to index
      %swap3A_437 = arith.index_cast %add3A_434 : i32 to index
      %swap3A_438 = tpu.vector_load %arg8[%swap3A_436, %swap3A_437] {strides = array<i32>} : memref<20x2048xf32, #tpu.memory_space<vmem>>, vector<16xf32>,
      tpu.vector_store %arg8[%swap3A_436, %swap3A_437], %gather3A_430 {strides = array<i32>} : memref<20x2048xf32, #tpu.memory_space<vmem>>, vector<16xf32>,
      %add3A_439 = arith.constant 10 : i32
      %add3A_440 = vector.broadcast %add3A_439 : i32 to vector<16xi32>
      %add3A_441 = arith.addi %mul3A_318, %add3A_440 : vector<16xi32>
      %gather3A_442 = tpu.vector_load_idx %arg7[%add3A_441] : memref<20000xf32, #tpu.memory_space<vmem>>[vector<16xi32>], vector<16xf32>,
      %mul3A_443 = arith.constant 64 : i32
      %mul3A_444 = arith.muli %scan3A_51, %mul3A_443 : i32
      %add3A_445 = arith.constant 16 : i32
      %add3A_446 = arith.addi %mul3A_444, %add3A_445 : i32
      %swap3A_447 = arith.constant 10 : i32
      %swap3A_448 = arith.index_cast %swap3A_447 : i32 to index
      %swap3A_449 = arith.index_cast %add3A_446 : i32 to index
      %swap3A_450 = tpu.vector_load %arg8[%swap3A_448, %swap3A_449] {strides = array<i32>} : memref<20x2048xf32, #tpu.memory_space<vmem>>, vector<16xf32>,
      tpu.vector_store %arg8[%swap3A_448, %swap3A_449], %gather3A_442 {strides = array<i32>} : memref<20x2048xf32, #tpu.memory_space<vmem>>, vector<16xf32>,
      %add3A_451 = arith.constant 11 : i32
      %add3A_452 = vector.broadcast %add3A_451 : i32 to vector<16xi32>
      %add3A_453 = arith.addi %mul3A_318, %add3A_452 : vector<16xi32>
      %gather3A_454 = tpu.vector_load_idx %arg7[%add3A_453] : memref<20000xf32, #tpu.memory_space<vmem>>[vector<16xi32>], vector<16xf32>,
      %mul3A_455 = arith.constant 64 : i32
      %mul3A_456 = arith.muli %scan3A_51, %mul3A_455 : i32
      %add3A_457 = arith.constant 16 : i32
      %add3A_458 = arith.addi %mul3A_456, %add3A_457 : i32
      %swap3A_459 = arith.constant 11 : i32
      %swap3A_460 = arith.index_cast %swap3A_459 : i32 to index
      %swap3A_461 = arith.index_cast %add3A_458 : i32 to index
      %swap3A_462 = tpu.vector_load %arg8[%swap3A_460, %swap3A_461] {strides = array<i32>} : memref<20x2048xf32, #tpu.memory_space<vmem>>, vector<16xf32>,
      tpu.vector_store %arg8[%swap3A_460, %swap3A_461], %gather3A_454 {strides = array<i32>} : memref<20x2048xf32, #tpu.memory_space<vmem>>, vector<16xf32>,
      %add3A_463 = arith.constant 12 : i32
      %add3A_464 = vector.broadcast %add3A_463 : i32 to vector<16xi32>
      %add3A_465 = arith.addi %mul3A_318, %add3A_464 : vector<16xi32>
      %gather3A_466 = tpu.vector_load_idx %arg7[%add3A_465] : memref<20000xf32, #tpu.memory_space<vmem>>[vector<16xi32>], vector<16xf32>,
      %mul3A_467 = arith.constant 64 : i32
      %mul3A_468 = arith.muli %scan3A_51, %mul3A_467 : i32
      %add3A_469 = arith.constant 16 : i32
      %add3A_470 = arith.addi %mul3A_468, %add3A_469 : i32
      %swap3A_471 = arith.constant 12 : i32
      %swap3A_472 = arith.index_cast %swap3A_471 : i32 to index
      %swap3A_473 = arith.index_cast %add3A_470 : i32 to index
      %swap3A_474 = tpu.vector_load %arg8[%swap3A_472, %swap3A_473] {strides = array<i32>} : memref<20x2048xf32, #tpu.memory_space<vmem>>, vector<16xf32>,
      tpu.vector_store %arg8[%swap3A_472, %swap3A_473], %gather3A_466 {strides = array<i32>} : memref<20x2048xf32, #tpu.memory_space<vmem>>, vector<16xf32>,
      %add3A_475 = arith.constant 13 : i32
      %add3A_476 = vector.broadcast %add3A_475 : i32 to vector<16xi32>
      %add3A_477 = arith.addi %mul3A_318, %add3A_476 : vector<16xi32>
      %gather3A_478 = tpu.vector_load_idx %arg7[%add3A_477] : memref<20000xf32, #tpu.memory_space<vmem>>[vector<16xi32>], vector<16xf32>,
      %mul3A_479 = arith.constant 64 : i32
      %mul3A_480 = arith.muli %scan3A_51, %mul3A_479 : i32
      %add3A_481 = arith.constant 16 : i32
      %add3A_482 = arith.addi %mul3A_480, %add3A_481 : i32
      %swap3A_483 = arith.constant 13 : i32
      %swap3A_484 = arith.index_cast %swap3A_483 : i32 to index
      %swap3A_485 = arith.index_cast %add3A_482 : i32 to index
      %swap3A_486 = tpu.vector_load %arg8[%swap3A_484, %swap3A_485] {strides = array<i32>} : memref<20x2048xf32, #tpu.memory_space<vmem>>, vector<16xf32>,
      tpu.vector_store %arg8[%swap3A_484, %swap3A_485], %gather3A_478 {strides = array<i32>} : memref<20x2048xf32, #tpu.memory_space<vmem>>, vector<16xf32>,
      %add3A_487 = arith.constant 14 : i32
      %add3A_488 = vector.broadcast %add3A_487 : i32 to vector<16xi32>
      %add3A_489 = arith.addi %mul3A_318, %add3A_488 : vector<16xi32>
      %gather3A_490 = tpu.vector_load_idx %arg7[%add3A_489] : memref<20000xf32, #tpu.memory_space<vmem>>[vector<16xi32>], vector<16xf32>,
      %mul3A_491 = arith.constant 64 : i32
      %mul3A_492 = arith.muli %scan3A_51, %mul3A_491 : i32
      %add3A_493 = arith.constant 16 : i32
      %add3A_494 = arith.addi %mul3A_492, %add3A_493 : i32
      %swap3A_495 = arith.constant 14 : i32
      %swap3A_496 = arith.index_cast %swap3A_495 : i32 to index
      %swap3A_497 = arith.index_cast %add3A_494 : i32 to index
      %swap3A_498 = tpu.vector_load %arg8[%swap3A_496, %swap3A_497] {strides = array<i32>} : memref<20x2048xf32, #tpu.memory_space<vmem>>, vector<16xf32>,
      tpu.vector_store %arg8[%swap3A_496, %swap3A_497], %gather3A_490 {strides = array<i32>} : memref<20x2048xf32, #tpu.memory_space<vmem>>, vector<16xf32>,
      %add3A_499 = arith.constant 15 : i32
      %add3A_500 = vector.broadcast %add3A_499 : i32 to vector<16xi32>
      %add3A_501 = arith.addi %mul3A_318, %add3A_500 : vector<16xi32>
      %gather3A_502 = tpu.vector_load_idx %arg7[%add3A_501] : memref<20000xf32, #tpu.memory_space<vmem>>[vector<16xi32>], vector<16xf32>,
      %mul3A_503 = arith.constant 64 : i32
      %mul3A_504 = arith.muli %scan3A_51, %mul3A_503 : i32
      %add3A_505 = arith.constant 16 : i32
      %add3A_506 = arith.addi %mul3A_504, %add3A_505 : i32
      %swap3A_507 = arith.constant 15 : i32
      %swap3A_508 = arith.index_cast %swap3A_507 : i32 to index
      %swap3A_509 = arith.index_cast %add3A_506 : i32 to index
      %swap3A_510 = tpu.vector_load %arg8[%swap3A_508, %swap3A_509] {strides = array<i32>} : memref<20x2048xf32, #tpu.memory_space<vmem>>, vector<16xf32>,
      tpu.vector_store %arg8[%swap3A_508, %swap3A_509], %gather3A_502 {strides = array<i32>} : memref<20x2048xf32, #tpu.memory_space<vmem>>, vector<16xf32>,
      %add3A_511 = arith.constant 16 : i32
      %add3A_512 = vector.broadcast %add3A_511 : i32 to vector<16xi32>
      %add3A_513 = arith.addi %mul3A_318, %add3A_512 : vector<16xi32>
      %gather3A_514 = tpu.vector_load_idx %arg7[%add3A_513] : memref<20000xf32, #tpu.memory_space<vmem>>[vector<16xi32>], vector<16xf32>,
      %mul3A_515 = arith.constant 64 : i32
      %mul3A_516 = arith.muli %scan3A_51, %mul3A_515 : i32
      %add3A_517 = arith.constant 16 : i32
      %add3A_518 = arith.addi %mul3A_516, %add3A_517 : i32
      %swap3A_519 = arith.constant 16 : i32
      %swap3A_520 = arith.index_cast %swap3A_519 : i32 to index
      %swap3A_521 = arith.index_cast %add3A_518 : i32 to index
      %swap3A_522 = tpu.vector_load %arg8[%swap3A_520, %swap3A_521] {strides = array<i32>} : memref<20x2048xf32, #tpu.memory_space<vmem>>, vector<16xf32>,
      tpu.vector_store %arg8[%swap3A_520, %swap3A_521], %gather3A_514 {strides = array<i32>} : memref<20x2048xf32, #tpu.memory_space<vmem>>, vector<16xf32>,
      %add3A_523 = arith.constant 17 : i32
      %add3A_524 = vector.broadcast %add3A_523 : i32 to vector<16xi32>
      %add3A_525 = arith.addi %mul3A_318, %add3A_524 : vector<16xi32>
      %gather3A_526 = tpu.vector_load_idx %arg7[%add3A_525] : memref<20000xf32, #tpu.memory_space<vmem>>[vector<16xi32>], vector<16xf32>,
      %mul3A_527 = arith.constant 64 : i32
      %mul3A_528 = arith.muli %scan3A_51, %mul3A_527 : i32
      %add3A_529 = arith.constant 16 : i32
      %add3A_530 = arith.addi %mul3A_528, %add3A_529 : i32
      %swap3A_531 = arith.constant 17 : i32
      %swap3A_532 = arith.index_cast %swap3A_531 : i32 to index
      %swap3A_533 = arith.index_cast %add3A_530 : i32 to index
      %swap3A_534 = tpu.vector_load %arg8[%swap3A_532, %swap3A_533] {strides = array<i32>} : memref<20x2048xf32, #tpu.memory_space<vmem>>, vector<16xf32>,
      tpu.vector_store %arg8[%swap3A_532, %swap3A_533], %gather3A_526 {strides = array<i32>} : memref<20x2048xf32, #tpu.memory_space<vmem>>, vector<16xf32>,
      %add3A_535 = arith.constant 18 : i32
      %add3A_536 = vector.broadcast %add3A_535 : i32 to vector<16xi32>
      %add3A_537 = arith.addi %mul3A_318, %add3A_536 : vector<16xi32>
      %gather3A_538 = tpu.vector_load_idx %arg7[%add3A_537] : memref<20000xf32, #tpu.memory_space<vmem>>[vector<16xi32>], vector<16xf32>,
      %mul3A_539 = arith.constant 64 : i32
      %mul3A_540 = arith.muli %scan3A_51, %mul3A_539 : i32
      %add3A_541 = arith.constant 16 : i32
      %add3A_542 = arith.addi %mul3A_540, %add3A_541 : i32
      %swap3A_543 = arith.constant 18 : i32
      %swap3A_544 = arith.index_cast %swap3A_543 : i32 to index
      %swap3A_545 = arith.index_cast %add3A_542 : i32 to index
      %swap3A_546 = tpu.vector_load %arg8[%swap3A_544, %swap3A_545] {strides = array<i32>} : memref<20x2048xf32, #tpu.memory_space<vmem>>, vector<16xf32>,
      tpu.vector_store %arg8[%swap3A_544, %swap3A_545], %gather3A_538 {strides = array<i32>} : memref<20x2048xf32, #tpu.memory_space<vmem>>, vector<16xf32>,
      %add3A_547 = arith.constant 19 : i32
      %add3A_548 = vector.broadcast %add3A_547 : i32 to vector<16xi32>
      %add3A_549 = arith.addi %mul3A_318, %add3A_548 : vector<16xi32>
      %gather3A_550 = tpu.vector_load_idx %arg7[%add3A_549] : memref<20000xf32, #tpu.memory_space<vmem>>[vector<16xi32>], vector<16xf32>,
      %mul3A_551 = arith.constant 64 : i32
      %mul3A_552 = arith.muli %scan3A_51, %mul3A_551 : i32
      %add3A_553 = arith.constant 16 : i32
      %add3A_554 = arith.addi %mul3A_552, %add3A_553 : i32
      %swap3A_555 = arith.constant 19 : i32
      %swap3A_556 = arith.index_cast %swap3A_555 : i32 to index
      %swap3A_557 = arith.index_cast %add3A_554 : i32 to index
      %swap3A_558 = tpu.vector_load %arg8[%swap3A_556, %swap3A_557] {strides = array<i32>} : memref<20x2048xf32, #tpu.memory_space<vmem>>, vector<16xf32>,
      tpu.vector_store %arg8[%swap3A_556, %swap3A_557], %gather3A_550 {strides = array<i32>} : memref<20x2048xf32, #tpu.memory_space<vmem>>, vector<16xf32>,
      %mul3A_559 = arith.constant 20 : i32
      %mul3A_560 = vector.broadcast %mul3A_559 : i32 to vector<16xi32>
      %mul3A_561 = arith.muli %get3A_68, %mul3A_560 : vector<16xi32>
      %add3A_562 = arith.constant 0 : i32
      %add3A_563 = vector.broadcast %add3A_562 : i32 to vector<16xi32>
      %add3A_564 = arith.addi %mul3A_561, %add3A_563 : vector<16xi32>
      %gather3A_565 = tpu.vector_load_idx %arg7[%add3A_564] : memref<20000xf32, #tpu.memory_space<vmem>>[vector<16xi32>], vector<16xf32>,
      %mul3A_566 = arith.constant 64 : i32
      %mul3A_567 = arith.muli %scan3A_51, %mul3A_566 : i32
      %add3A_568 = arith.constant 32 : i32
      %add3A_569 = arith.addi %mul3A_567, %add3A_568 : i32
      %swap3A_570 = arith.constant 0 : i32
      %swap3A_571 = arith.index_cast %swap3A_570 : i32 to index
      %swap3A_572 = arith.index_cast %add3A_569 : i32 to index
      %swap3A_573 = tpu.vector_load %arg8[%swap3A_571, %swap3A_572] {strides = array<i32>} : memref<20x2048xf32, #tpu.memory_space<vmem>>, vector<16xf32>,
      tpu.vector_store %arg8[%swap3A_571, %swap3A_572], %gather3A_565 {strides = array<i32>} : memref<20x2048xf32, #tpu.memory_space<vmem>>, vector<16xf32>,
      %add3A_574 = arith.constant 1 : i32
      %add3A_575 = vector.broadcast %add3A_574 : i32 to vector<16xi32>
      %add3A_576 = arith.addi %mul3A_561, %add3A_575 : vector<16xi32>
      %gather3A_577 = tpu.vector_load_idx %arg7[%add3A_576] : memref<20000xf32, #tpu.memory_space<vmem>>[vector<16xi32>], vector<16xf32>,
      %mul3A_578 = arith.constant 64 : i32
      %mul3A_579 = arith.muli %scan3A_51, %mul3A_578 : i32
      %add3A_580 = arith.constant 32 : i32
      %add3A_581 = arith.addi %mul3A_579, %add3A_580 : i32
      %swap3A_582 = arith.constant 1 : i32
      %swap3A_583 = arith.index_cast %swap3A_582 : i32 to index
      %swap3A_584 = arith.index_cast %add3A_581 : i32 to index
      %swap3A_585 = tpu.vector_load %arg8[%swap3A_583, %swap3A_584] {strides = array<i32>} : memref<20x2048xf32, #tpu.memory_space<vmem>>, vector<16xf32>,
      tpu.vector_store %arg8[%swap3A_583, %swap3A_584], %gather3A_577 {strides = array<i32>} : memref<20x2048xf32, #tpu.memory_space<vmem>>, vector<16xf32>,
      %add3A_586 = arith.constant 2 : i32
      %add3A_587 = vector.broadcast %add3A_586 : i32 to vector<16xi32>
      %add3A_588 = arith.addi %mul3A_561, %add3A_587 : vector<16xi32>
      %gather3A_589 = tpu.vector_load_idx %arg7[%add3A_588] : memref<20000xf32, #tpu.memory_space<vmem>>[vector<16xi32>], vector<16xf32>,
      %mul3A_590 = arith.constant 64 : i32
      %mul3A_591 = arith.muli %scan3A_51, %mul3A_590 : i32
      %add3A_592 = arith.constant 32 : i32
      %add3A_593 = arith.addi %mul3A_591, %add3A_592 : i32
      %swap3A_594 = arith.constant 2 : i32
      %swap3A_595 = arith.index_cast %swap3A_594 : i32 to index
      %swap3A_596 = arith.index_cast %add3A_593 : i32 to index
      %swap3A_597 = tpu.vector_load %arg8[%swap3A_595, %swap3A_596] {strides = array<i32>} : memref<20x2048xf32, #tpu.memory_space<vmem>>, vector<16xf32>,
      tpu.vector_store %arg8[%swap3A_595, %swap3A_596], %gather3A_589 {strides = array<i32>} : memref<20x2048xf32, #tpu.memory_space<vmem>>, vector<16xf32>,
      %add3A_598 = arith.constant 3 : i32
      %add3A_599 = vector.broadcast %add3A_598 : i32 to vector<16xi32>
      %add3A_600 = arith.addi %mul3A_561, %add3A_599 : vector<16xi32>
      %gather3A_601 = tpu.vector_load_idx %arg7[%add3A_600] : memref<20000xf32, #tpu.memory_space<vmem>>[vector<16xi32>], vector<16xf32>,
      %mul3A_602 = arith.constant 64 : i32
      %mul3A_603 = arith.muli %scan3A_51, %mul3A_602 : i32
      %add3A_604 = arith.constant 32 : i32
      %add3A_605 = arith.addi %mul3A_603, %add3A_604 : i32
      %swap3A_606 = arith.constant 3 : i32
      %swap3A_607 = arith.index_cast %swap3A_606 : i32 to index
      %swap3A_608 = arith.index_cast %add3A_605 : i32 to index
      %swap3A_609 = tpu.vector_load %arg8[%swap3A_607, %swap3A_608] {strides = array<i32>} : memref<20x2048xf32, #tpu.memory_space<vmem>>, vector<16xf32>,
      tpu.vector_store %arg8[%swap3A_607, %swap3A_608], %gather3A_601 {strides = array<i32>} : memref<20x2048xf32, #tpu.memory_space<vmem>>, vector<16xf32>,
      %add3A_610 = arith.constant 4 : i32
      %add3A_611 = vector.broadcast %add3A_610 : i32 to vector<16xi32>
      %add3A_612 = arith.addi %mul3A_561, %add3A_611 : vector<16xi32>
      %gather3A_613 = tpu.vector_load_idx %arg7[%add3A_612] : memref<20000xf32, #tpu.memory_space<vmem>>[vector<16xi32>], vector<16xf32>,
      %mul3A_614 = arith.constant 64 : i32
      %mul3A_615 = arith.muli %scan3A_51, %mul3A_614 : i32
      %add3A_616 = arith.constant 32 : i32
      %add3A_617 = arith.addi %mul3A_615, %add3A_616 : i32
      %swap3A_618 = arith.constant 4 : i32
      %swap3A_619 = arith.index_cast %swap3A_618 : i32 to index
      %swap3A_620 = arith.index_cast %add3A_617 : i32 to index
      %swap3A_621 = tpu.vector_load %arg8[%swap3A_619, %swap3A_620] {strides = array<i32>} : memref<20x2048xf32, #tpu.memory_space<vmem>>, vector<16xf32>,
      tpu.vector_store %arg8[%swap3A_619, %swap3A_620], %gather3A_613 {strides = array<i32>} : memref<20x2048xf32, #tpu.memory_space<vmem>>, vector<16xf32>,
      %add3A_622 = arith.constant 5 : i32
      %add3A_623 = vector.broadcast %add3A_622 : i32 to vector<16xi32>
      %add3A_624 = arith.addi %mul3A_561, %add3A_623 : vector<16xi32>
      %gather3A_625 = tpu.vector_load_idx %arg7[%add3A_624] : memref<20000xf32, #tpu.memory_space<vmem>>[vector<16xi32>], vector<16xf32>,
      %mul3A_626 = arith.constant 64 : i32
      %mul3A_627 = arith.muli %scan3A_51, %mul3A_626 : i32
      %add3A_628 = arith.constant 32 : i32
      %add3A_629 = arith.addi %mul3A_627, %add3A_628 : i32
      %swap3A_630 = arith.constant 5 : i32
      %swap3A_631 = arith.index_cast %swap3A_630 : i32 to index
      %swap3A_632 = arith.index_cast %add3A_629 : i32 to index
      %swap3A_633 = tpu.vector_load %arg8[%swap3A_631, %swap3A_632] {strides = array<i32>} : memref<20x2048xf32, #tpu.memory_space<vmem>>, vector<16xf32>,
      tpu.vector_store %arg8[%swap3A_631, %swap3A_632], %gather3A_625 {strides = array<i32>} : memref<20x2048xf32, #tpu.memory_space<vmem>>, vector<16xf32>,
      %add3A_634 = arith.constant 6 : i32
      %add3A_635 = vector.broadcast %add3A_634 : i32 to vector<16xi32>
      %add3A_636 = arith.addi %mul3A_561, %add3A_635 : vector<16xi32>
      %gather3A_637 = tpu.vector_load_idx %arg7[%add3A_636] : memref<20000xf32, #tpu.memory_space<vmem>>[vector<16xi32>], vector<16xf32>,
      %mul3A_638 = arith.constant 64 : i32
      %mul3A_639 = arith.muli %scan3A_51, %mul3A_638 : i32
      %add3A_640 = arith.constant 32 : i32
      %add3A_641 = arith.addi %mul3A_639, %add3A_640 : i32
      %swap3A_642 = arith.constant 6 : i32
      %swap3A_643 = arith.index_cast %swap3A_642 : i32 to index
      %swap3A_644 = arith.index_cast %add3A_641 : i32 to index
      %swap3A_645 = tpu.vector_load %arg8[%swap3A_643, %swap3A_644] {strides = array<i32>} : memref<20x2048xf32, #tpu.memory_space<vmem>>, vector<16xf32>,
      tpu.vector_store %arg8[%swap3A_643, %swap3A_644], %gather3A_637 {strides = array<i32>} : memref<20x2048xf32, #tpu.memory_space<vmem>>, vector<16xf32>,
      %add3A_646 = arith.constant 7 : i32
      %add3A_647 = vector.broadcast %add3A_646 : i32 to vector<16xi32>
      %add3A_648 = arith.addi %mul3A_561, %add3A_647 : vector<16xi32>
      %gather3A_649 = tpu.vector_load_idx %arg7[%add3A_648] : memref<20000xf32, #tpu.memory_space<vmem>>[vector<16xi32>], vector<16xf32>,
      %mul3A_650 = arith.constant 64 : i32
      %mul3A_651 = arith.muli %scan3A_51, %mul3A_650 : i32
      %add3A_652 = arith.constant 32 : i32
      %add3A_653 = arith.addi %mul3A_651, %add3A_652 : i32
      %swap3A_654 = arith.constant 7 : i32
      %swap3A_655 = arith.index_cast %swap3A_654 : i32 to index
      %swap3A_656 = arith.index_cast %add3A_653 : i32 to index
      %swap3A_657 = tpu.vector_load %arg8[%swap3A_655, %swap3A_656] {strides = array<i32>} : memref<20x2048xf32, #tpu.memory_space<vmem>>, vector<16xf32>,
      tpu.vector_store %arg8[%swap3A_655, %swap3A_656], %gather3A_649 {strides = array<i32>} : memref<20x2048xf32, #tpu.memory_space<vmem>>, vector<16xf32>,
      %add3A_658 = arith.constant 8 : i32
      %add3A_659 = vector.broadcast %add3A_658 : i32 to vector<16xi32>
      %add3A_660 = arith.addi %mul3A_561, %add3A_659 : vector<16xi32>
      %gather3A_661 = tpu.vector_load_idx %arg7[%add3A_660] : memref<20000xf32, #tpu.memory_space<vmem>>[vector<16xi32>], vector<16xf32>,
      %mul3A_662 = arith.constant 64 : i32
      %mul3A_663 = arith.muli %scan3A_51, %mul3A_662 : i32
      %add3A_664 = arith.constant 32 : i32
      %add3A_665 = arith.addi %mul3A_663, %add3A_664 : i32
      %swap3A_666 = arith.constant 8 : i32
      %swap3A_667 = arith.index_cast %swap3A_666 : i32 to index
      %swap3A_668 = arith.index_cast %add3A_665 : i32 to index
      %swap3A_669 = tpu.vector_load %arg8[%swap3A_667, %swap3A_668] {strides = array<i32>} : memref<20x2048xf32, #tpu.memory_space<vmem>>, vector<16xf32>,
      tpu.vector_store %arg8[%swap3A_667, %swap3A_668], %gather3A_661 {strides = array<i32>} : memref<20x2048xf32, #tpu.memory_space<vmem>>, vector<16xf32>,
      %add3A_670 = arith.constant 9 : i32
      %add3A_671 = vector.broadcast %add3A_670 : i32 to vector<16xi32>
      %add3A_672 = arith.addi %mul3A_561, %add3A_671 : vector<16xi32>
      %gather3A_673 = tpu.vector_load_idx %arg7[%add3A_672] : memref<20000xf32, #tpu.memory_space<vmem>>[vector<16xi32>], vector<16xf32>,
      %mul3A_674 = arith.constant 64 : i32
      %mul3A_675 = arith.muli %scan3A_51, %mul3A_674 : i32
      %add3A_676 = arith.constant 32 : i32
      %add3A_677 = arith.addi %mul3A_675, %add3A_676 : i32
      %swap3A_678 = arith.constant 9 : i32
      %swap3A_679 = arith.index_cast %swap3A_678 : i32 to index
      %swap3A_680 = arith.index_cast %add3A_677 : i32 to index
      %swap3A_681 = tpu.vector_load %arg8[%swap3A_679, %swap3A_680] {strides = array<i32>} : memref<20x2048xf32, #tpu.memory_space<vmem>>, vector<16xf32>,
      tpu.vector_store %arg8[%swap3A_679, %swap3A_680], %gather3A_673 {strides = array<i32>} : memref<20x2048xf32, #tpu.memory_space<vmem>>, vector<16xf32>,
      %add3A_682 = arith.constant 10 : i32
      %add3A_683 = vector.broadcast %add3A_682 : i32 to vector<16xi32>
      %add3A_684 = arith.addi %mul3A_561, %add3A_683 : vector<16xi32>
      %gather3A_685 = tpu.vector_load_idx %arg7[%add3A_684] : memref<20000xf32, #tpu.memory_space<vmem>>[vector<16xi32>], vector<16xf32>,
      %mul3A_686 = arith.constant 64 : i32
      %mul3A_687 = arith.muli %scan3A_51, %mul3A_686 : i32
      %add3A_688 = arith.constant 32 : i32
      %add3A_689 = arith.addi %mul3A_687, %add3A_688 : i32
      %swap3A_690 = arith.constant 10 : i32
      %swap3A_691 = arith.index_cast %swap3A_690 : i32 to index
      %swap3A_692 = arith.index_cast %add3A_689 : i32 to index
      %swap3A_693 = tpu.vector_load %arg8[%swap3A_691, %swap3A_692] {strides = array<i32>} : memref<20x2048xf32, #tpu.memory_space<vmem>>, vector<16xf32>,
      tpu.vector_store %arg8[%swap3A_691, %swap3A_692], %gather3A_685 {strides = array<i32>} : memref<20x2048xf32, #tpu.memory_space<vmem>>, vector<16xf32>,
      %add3A_694 = arith.constant 11 : i32
      %add3A_695 = vector.broadcast %add3A_694 : i32 to vector<16xi32>
      %add3A_696 = arith.addi %mul3A_561, %add3A_695 : vector<16xi32>
      %gather3A_697 = tpu.vector_load_idx %arg7[%add3A_696] : memref<20000xf32, #tpu.memory_space<vmem>>[vector<16xi32>], vector<16xf32>,
      %mul3A_698 = arith.constant 64 : i32
      %mul3A_699 = arith.muli %scan3A_51, %mul3A_698 : i32
      %add3A_700 = arith.constant 32 : i32
      %add3A_701 = arith.addi %mul3A_699, %add3A_700 : i32
      %swap3A_702 = arith.constant 11 : i32
      %swap3A_703 = arith.index_cast %swap3A_702 : i32 to index
      %swap3A_704 = arith.index_cast %add3A_701 : i32 to index
      %swap3A_705 = tpu.vector_load %arg8[%swap3A_703, %swap3A_704] {strides = array<i32>} : memref<20x2048xf32, #tpu.memory_space<vmem>>, vector<16xf32>,
      tpu.vector_store %arg8[%swap3A_703, %swap3A_704], %gather3A_697 {strides = array<i32>} : memref<20x2048xf32, #tpu.memory_space<vmem>>, vector<16xf32>,
      %add3A_706 = arith.constant 12 : i32
      %add3A_707 = vector.broadcast %add3A_706 : i32 to vector<16xi32>
      %add3A_708 = arith.addi %mul3A_561, %add3A_707 : vector<16xi32>
      %gather3A_709 = tpu.vector_load_idx %arg7[%add3A_708] : memref<20000xf32, #tpu.memory_space<vmem>>[vector<16xi32>], vector<16xf32>,
      %mul3A_710 = arith.constant 64 : i32
      %mul3A_711 = arith.muli %scan3A_51, %mul3A_710 : i32
      %add3A_712 = arith.constant 32 : i32
      %add3A_713 = arith.addi %mul3A_711, %add3A_712 : i32
      %swap3A_714 = arith.constant 12 : i32
      %swap3A_715 = arith.index_cast %swap3A_714 : i32 to index
      %swap3A_716 = arith.index_cast %add3A_713 : i32 to index
      %swap3A_717 = tpu.vector_load %arg8[%swap3A_715, %swap3A_716] {strides = array<i32>} : memref<20x2048xf32, #tpu.memory_space<vmem>>, vector<16xf32>,
      tpu.vector_store %arg8[%swap3A_715, %swap3A_716], %gather3A_709 {strides = array<i32>} : memref<20x2048xf32, #tpu.memory_space<vmem>>, vector<16xf32>,
      %add3A_718 = arith.constant 13 : i32
      %add3A_719 = vector.broadcast %add3A_718 : i32 to vector<16xi32>
      %add3A_720 = arith.addi %mul3A_561, %add3A_719 : vector<16xi32>
      %gather3A_721 = tpu.vector_load_idx %arg7[%add3A_720] : memref<20000xf32, #tpu.memory_space<vmem>>[vector<16xi32>], vector<16xf32>,
      %mul3A_722 = arith.constant 64 : i32
      %mul3A_723 = arith.muli %scan3A_51, %mul3A_722 : i32
      %add3A_724 = arith.constant 32 : i32
      %add3A_725 = arith.addi %mul3A_723, %add3A_724 : i32
      %swap3A_726 = arith.constant 13 : i32
      %swap3A_727 = arith.index_cast %swap3A_726 : i32 to index
      %swap3A_728 = arith.index_cast %add3A_725 : i32 to index
      %swap3A_729 = tpu.vector_load %arg8[%swap3A_727, %swap3A_728] {strides = array<i32>} : memref<20x2048xf32, #tpu.memory_space<vmem>>, vector<16xf32>,
      tpu.vector_store %arg8[%swap3A_727, %swap3A_728], %gather3A_721 {strides = array<i32>} : memref<20x2048xf32, #tpu.memory_space<vmem>>, vector<16xf32>,
      %add3A_730 = arith.constant 14 : i32
      %add3A_731 = vector.broadcast %add3A_730 : i32 to vector<16xi32>
      %add3A_732 = arith.addi %mul3A_561, %add3A_731 : vector<16xi32>
      %gather3A_733 = tpu.vector_load_idx %arg7[%add3A_732] : memref<20000xf32, #tpu.memory_space<vmem>>[vector<16xi32>], vector<16xf32>,
      %mul3A_734 = arith.constant 64 : i32
      %mul3A_735 = arith.muli %scan3A_51, %mul3A_734 : i32
      %add3A_736 = arith.constant 32 : i32
      %add3A_737 = arith.addi %mul3A_735, %add3A_736 : i32
      %swap3A_738 = arith.constant 14 : i32
      %swap3A_739 = arith.index_cast %swap3A_738 : i32 to index
      %swap3A_740 = arith.index_cast %add3A_737 : i32 to index
      %swap3A_741 = tpu.vector_load %arg8[%swap3A_739, %swap3A_740] {strides = array<i32>} : memref<20x2048xf32, #tpu.memory_space<vmem>>, vector<16xf32>,
      tpu.vector_store %arg8[%swap3A_739, %swap3A_740], %gather3A_733 {strides = array<i32>} : memref<20x2048xf32, #tpu.memory_space<vmem>>, vector<16xf32>,
      %add3A_742 = arith.constant 15 : i32
      %add3A_743 = vector.broadcast %add3A_742 : i32 to vector<16xi32>
      %add3A_744 = arith.addi %mul3A_561, %add3A_743 : vector<16xi32>
      %gather3A_745 = tpu.vector_load_idx %arg7[%add3A_744] : memref<20000xf32, #tpu.memory_space<vmem>>[vector<16xi32>], vector<16xf32>,
      %mul3A_746 = arith.constant 64 : i32
      %mul3A_747 = arith.muli %scan3A_51, %mul3A_746 : i32
      %add3A_748 = arith.constant 32 : i32
      %add3A_749 = arith.addi %mul3A_747, %add3A_748 : i32
      %swap3A_750 = arith.constant 15 : i32
      %swap3A_751 = arith.index_cast %swap3A_750 : i32 to index
      %swap3A_752 = arith.index_cast %add3A_749 : i32 to index
      %swap3A_753 = tpu.vector_load %arg8[%swap3A_751, %swap3A_752] {strides = array<i32>} : memref<20x2048xf32, #tpu.memory_space<vmem>>, vector<16xf32>,
      tpu.vector_store %arg8[%swap3A_751, %swap3A_752], %gather3A_745 {strides = array<i32>} : memref<20x2048xf32, #tpu.memory_space<vmem>>, vector<16xf32>,
      %add3A_754 = arith.constant 16 : i32
      %add3A_755 = vector.broadcast %add3A_754 : i32 to vector<16xi32>
      %add3A_756 = arith.addi %mul3A_561, %add3A_755 : vector<16xi32>
      %gather3A_757 = tpu.vector_load_idx %arg7[%add3A_756] : memref<20000xf32, #tpu.memory_space<vmem>>[vector<16xi32>], vector<16xf32>,
      %mul3A_758 = arith.constant 64 : i32
      %mul3A_759 = arith.muli %scan3A_51, %mul3A_758 : i32
      %add3A_760 = arith.constant 32 : i32
      %add3A_761 = arith.addi %mul3A_759, %add3A_760 : i32
      %swap3A_762 = arith.constant 16 : i32
      %swap3A_763 = arith.index_cast %swap3A_762 : i32 to index
      %swap3A_764 = arith.index_cast %add3A_761 : i32 to index
      %swap3A_765 = tpu.vector_load %arg8[%swap3A_763, %swap3A_764] {strides = array<i32>} : memref<20x2048xf32, #tpu.memory_space<vmem>>, vector<16xf32>,
      tpu.vector_store %arg8[%swap3A_763, %swap3A_764], %gather3A_757 {strides = array<i32>} : memref<20x2048xf32, #tpu.memory_space<vmem>>, vector<16xf32>,
      %add3A_766 = arith.constant 17 : i32
      %add3A_767 = vector.broadcast %add3A_766 : i32 to vector<16xi32>
      %add3A_768 = arith.addi %mul3A_561, %add3A_767 : vector<16xi32>
      %gather3A_769 = tpu.vector_load_idx %arg7[%add3A_768] : memref<20000xf32, #tpu.memory_space<vmem>>[vector<16xi32>], vector<16xf32>,
      %mul3A_770 = arith.constant 64 : i32
      %mul3A_771 = arith.muli %scan3A_51, %mul3A_770 : i32
      %add3A_772 = arith.constant 32 : i32
      %add3A_773 = arith.addi %mul3A_771, %add3A_772 : i32
      %swap3A_774 = arith.constant 17 : i32
      %swap3A_775 = arith.index_cast %swap3A_774 : i32 to index
      %swap3A_776 = arith.index_cast %add3A_773 : i32 to index
      %swap3A_777 = tpu.vector_load %arg8[%swap3A_775, %swap3A_776] {strides = array<i32>} : memref<20x2048xf32, #tpu.memory_space<vmem>>, vector<16xf32>,
      tpu.vector_store %arg8[%swap3A_775, %swap3A_776], %gather3A_769 {strides = array<i32>} : memref<20x2048xf32, #tpu.memory_space<vmem>>, vector<16xf32>,
      %add3A_778 = arith.constant 18 : i32
      %add3A_779 = vector.broadcast %add3A_778 : i32 to vector<16xi32>
      %add3A_780 = arith.addi %mul3A_561, %add3A_779 : vector<16xi32>
      %gather3A_781 = tpu.vector_load_idx %arg7[%add3A_780] : memref<20000xf32, #tpu.memory_space<vmem>>[vector<16xi32>], vector<16xf32>,
      %mul3A_782 = arith.constant 64 : i32
      %mul3A_783 = arith.muli %scan3A_51, %mul3A_782 : i32
      %add3A_784 = arith.constant 32 : i32
      %add3A_785 = arith.addi %mul3A_783, %add3A_784 : i32
      %swap3A_786 = arith.constant 18 : i32
      %swap3A_787 = arith.index_cast %swap3A_786 : i32 to index
      %swap3A_788 = arith.index_cast %add3A_785 : i32 to index
      %swap3A_789 = tpu.vector_load %arg8[%swap3A_787, %swap3A_788] {strides = array<i32>} : memref<20x2048xf32, #tpu.memory_space<vmem>>, vector<16xf32>,
      tpu.vector_store %arg8[%swap3A_787, %swap3A_788], %gather3A_781 {strides = array<i32>} : memref<20x2048xf32, #tpu.memory_space<vmem>>, vector<16xf32>,
      %add3A_790 = arith.constant 19 : i32
      %add3A_791 = vector.broadcast %add3A_790 : i32 to vector<16xi32>
      %add3A_792 = arith.addi %mul3A_561, %add3A_791 : vector<16xi32>
      %gather3A_793 = tpu.vector_load_idx %arg7[%add3A_792] : memref<20000xf32, #tpu.memory_space<vmem>>[vector<16xi32>], vector<16xf32>,
      %mul3A_794 = arith.constant 64 : i32
      %mul3A_795 = arith.muli %scan3A_51, %mul3A_794 : i32
      %add3A_796 = arith.constant 32 : i32
      %add3A_797 = arith.addi %mul3A_795, %add3A_796 : i32
      %swap3A_798 = arith.constant 19 : i32
      %swap3A_799 = arith.index_cast %swap3A_798 : i32 to index
      %swap3A_800 = arith.index_cast %add3A_797 : i32 to index
      %swap3A_801 = tpu.vector_load %arg8[%swap3A_799, %swap3A_800] {strides = array<i32>} : memref<20x2048xf32, #tpu.memory_space<vmem>>, vector<16xf32>,
      tpu.vector_store %arg8[%swap3A_799, %swap3A_800], %gather3A_793 {strides = array<i32>} : memref<20x2048xf32, #tpu.memory_space<vmem>>, vector<16xf32>,
      %mul3A_802 = arith.constant 20 : i32
      %mul3A_803 = vector.broadcast %mul3A_802 : i32 to vector<16xi32>
      %mul3A_804 = arith.muli %get3A_74, %mul3A_803 : vector<16xi32>
      %add3A_805 = arith.constant 0 : i32
      %add3A_806 = vector.broadcast %add3A_805 : i32 to vector<16xi32>
      %add3A_807 = arith.addi %mul3A_804, %add3A_806 : vector<16xi32>
      %gather3A_808 = tpu.vector_load_idx %arg7[%add3A_807] : memref<20000xf32, #tpu.memory_space<vmem>>[vector<16xi32>], vector<16xf32>,
      %mul3A_809 = arith.constant 64 : i32
      %mul3A_810 = arith.muli %scan3A_51, %mul3A_809 : i32
      %add3A_811 = arith.constant 48 : i32
      %add3A_812 = arith.addi %mul3A_810, %add3A_811 : i32
      %swap3A_813 = arith.constant 0 : i32
      %swap3A_814 = arith.index_cast %swap3A_813 : i32 to index
      %swap3A_815 = arith.index_cast %add3A_812 : i32 to index
      %swap3A_816 = tpu.vector_load %arg8[%swap3A_814, %swap3A_815] {strides = array<i32>} : memref<20x2048xf32, #tpu.memory_space<vmem>>, vector<16xf32>,
      tpu.vector_store %arg8[%swap3A_814, %swap3A_815], %gather3A_808 {strides = array<i32>} : memref<20x2048xf32, #tpu.memory_space<vmem>>, vector<16xf32>,
      %add3A_817 = arith.constant 1 : i32
      %add3A_818 = vector.broadcast %add3A_817 : i32 to vector<16xi32>
      %add3A_819 = arith.addi %mul3A_804, %add3A_818 : vector<16xi32>
      %gather3A_820 = tpu.vector_load_idx %arg7[%add3A_819] : memref<20000xf32, #tpu.memory_space<vmem>>[vector<16xi32>], vector<16xf32>,
      %mul3A_821 = arith.constant 64 : i32
      %mul3A_822 = arith.muli %scan3A_51, %mul3A_821 : i32
      %add3A_823 = arith.constant 48 : i32
      %add3A_824 = arith.addi %mul3A_822, %add3A_823 : i32
      %swap3A_825 = arith.constant 1 : i32
      %swap3A_826 = arith.index_cast %swap3A_825 : i32 to index
      %swap3A_827 = arith.index_cast %add3A_824 : i32 to index
      %swap3A_828 = tpu.vector_load %arg8[%swap3A_826, %swap3A_827] {strides = array<i32>} : memref<20x2048xf32, #tpu.memory_space<vmem>>, vector<16xf32>,
      tpu.vector_store %arg8[%swap3A_826, %swap3A_827], %gather3A_820 {strides = array<i32>} : memref<20x2048xf32, #tpu.memory_space<vmem>>, vector<16xf32>,
      %add3A_829 = arith.constant 2 : i32
      %add3A_830 = vector.broadcast %add3A_829 : i32 to vector<16xi32>
      %add3A_831 = arith.addi %mul3A_804, %add3A_830 : vector<16xi32>
      %gather3A_832 = tpu.vector_load_idx %arg7[%add3A_831] : memref<20000xf32, #tpu.memory_space<vmem>>[vector<16xi32>], vector<16xf32>,
      %mul3A_833 = arith.constant 64 : i32
      %mul3A_834 = arith.muli %scan3A_51, %mul3A_833 : i32
      %add3A_835 = arith.constant 48 : i32
      %add3A_836 = arith.addi %mul3A_834, %add3A_835 : i32
      %swap3A_837 = arith.constant 2 : i32
      %swap3A_838 = arith.index_cast %swap3A_837 : i32 to index
      %swap3A_839 = arith.index_cast %add3A_836 : i32 to index
      %swap3A_840 = tpu.vector_load %arg8[%swap3A_838, %swap3A_839] {strides = array<i32>} : memref<20x2048xf32, #tpu.memory_space<vmem>>, vector<16xf32>,
      tpu.vector_store %arg8[%swap3A_838, %swap3A_839], %gather3A_832 {strides = array<i32>} : memref<20x2048xf32, #tpu.memory_space<vmem>>, vector<16xf32>,
      %add3A_841 = arith.constant 3 : i32
      %add3A_842 = vector.broadcast %add3A_841 : i32 to vector<16xi32>
      %add3A_843 = arith.addi %mul3A_804, %add3A_842 : vector<16xi32>
      %gather3A_844 = tpu.vector_load_idx %arg7[%add3A_843] : memref<20000xf32, #tpu.memory_space<vmem>>[vector<16xi32>], vector<16xf32>,
      %mul3A_845 = arith.constant 64 : i32
      %mul3A_846 = arith.muli %scan3A_51, %mul3A_845 : i32
      %add3A_847 = arith.constant 48 : i32
      %add3A_848 = arith.addi %mul3A_846, %add3A_847 : i32
      %swap3A_849 = arith.constant 3 : i32
      %swap3A_850 = arith.index_cast %swap3A_849 : i32 to index
      %swap3A_851 = arith.index_cast %add3A_848 : i32 to index
      %swap3A_852 = tpu.vector_load %arg8[%swap3A_850, %swap3A_851] {strides = array<i32>} : memref<20x2048xf32, #tpu.memory_space<vmem>>, vector<16xf32>,
      tpu.vector_store %arg8[%swap3A_850, %swap3A_851], %gather3A_844 {strides = array<i32>} : memref<20x2048xf32, #tpu.memory_space<vmem>>, vector<16xf32>,
      %add3A_853 = arith.constant 4 : i32
      %add3A_854 = vector.broadcast %add3A_853 : i32 to vector<16xi32>
      %add3A_855 = arith.addi %mul3A_804, %add3A_854 : vector<16xi32>
      %gather3A_856 = tpu.vector_load_idx %arg7[%add3A_855] : memref<20000xf32, #tpu.memory_space<vmem>>[vector<16xi32>], vector<16xf32>,
      %mul3A_857 = arith.constant 64 : i32
      %mul3A_858 = arith.muli %scan3A_51, %mul3A_857 : i32
      %add3A_859 = arith.constant 48 : i32
      %add3A_860 = arith.addi %mul3A_858, %add3A_859 : i32
      %swap3A_861 = arith.constant 4 : i32
      %swap3A_862 = arith.index_cast %swap3A_861 : i32 to index
      %swap3A_863 = arith.index_cast %add3A_860 : i32 to index
      %swap3A_864 = tpu.vector_load %arg8[%swap3A_862, %swap3A_863] {strides = array<i32>} : memref<20x2048xf32, #tpu.memory_space<vmem>>, vector<16xf32>,
      tpu.vector_store %arg8[%swap3A_862, %swap3A_863], %gather3A_856 {strides = array<i32>} : memref<20x2048xf32, #tpu.memory_space<vmem>>, vector<16xf32>,
      %add3A_865 = arith.constant 5 : i32
      %add3A_866 = vector.broadcast %add3A_865 : i32 to vector<16xi32>
      %add3A_867 = arith.addi %mul3A_804, %add3A_866 : vector<16xi32>
      %gather3A_868 = tpu.vector_load_idx %arg7[%add3A_867] : memref<20000xf32, #tpu.memory_space<vmem>>[vector<16xi32>], vector<16xf32>,
      %mul3A_869 = arith.constant 64 : i32
      %mul3A_870 = arith.muli %scan3A_51, %mul3A_869 : i32
      %add3A_871 = arith.constant 48 : i32
      %add3A_872 = arith.addi %mul3A_870, %add3A_871 : i32
      %swap3A_873 = arith.constant 5 : i32
      %swap3A_874 = arith.index_cast %swap3A_873 : i32 to index
      %swap3A_875 = arith.index_cast %add3A_872 : i32 to index
      %swap3A_876 = tpu.vector_load %arg8[%swap3A_874, %swap3A_875] {strides = array<i32>} : memref<20x2048xf32, #tpu.memory_space<vmem>>, vector<16xf32>,
      tpu.vector_store %arg8[%swap3A_874, %swap3A_875], %gather3A_868 {strides = array<i32>} : memref<20x2048xf32, #tpu.memory_space<vmem>>, vector<16xf32>,
      %add3A_877 = arith.constant 6 : i32
      %add3A_878 = vector.broadcast %add3A_877 : i32 to vector<16xi32>
      %add3A_879 = arith.addi %mul3A_804, %add3A_878 : vector<16xi32>
      %gather3A_880 = tpu.vector_load_idx %arg7[%add3A_879] : memref<20000xf32, #tpu.memory_space<vmem>>[vector<16xi32>], vector<16xf32>,
      %mul3A_881 = arith.constant 64 : i32
      %mul3A_882 = arith.muli %scan3A_51, %mul3A_881 : i32
      %add3A_883 = arith.constant 48 : i32
      %add3A_884 = arith.addi %mul3A_882, %add3A_883 : i32
      %swap3A_885 = arith.constant 6 : i32
      %swap3A_886 = arith.index_cast %swap3A_885 : i32 to index
      %swap3A_887 = arith.index_cast %add3A_884 : i32 to index
      %swap3A_888 = tpu.vector_load %arg8[%swap3A_886, %swap3A_887] {strides = array<i32>} : memref<20x2048xf32, #tpu.memory_space<vmem>>, vector<16xf32>,
      tpu.vector_store %arg8[%swap3A_886, %swap3A_887], %gather3A_880 {strides = array<i32>} : memref<20x2048xf32, #tpu.memory_space<vmem>>, vector<16xf32>,
      %add3A_889 = arith.constant 7 : i32
      %add3A_890 = vector.broadcast %add3A_889 : i32 to vector<16xi32>
      %add3A_891 = arith.addi %mul3A_804, %add3A_890 : vector<16xi32>
      %gather3A_892 = tpu.vector_load_idx %arg7[%add3A_891] : memref<20000xf32, #tpu.memory_space<vmem>>[vector<16xi32>], vector<16xf32>,
      %mul3A_893 = arith.constant 64 : i32
      %mul3A_894 = arith.muli %scan3A_51, %mul3A_893 : i32
      %add3A_895 = arith.constant 48 : i32
      %add3A_896 = arith.addi %mul3A_894, %add3A_895 : i32
      %swap3A_897 = arith.constant 7 : i32
      %swap3A_898 = arith.index_cast %swap3A_897 : i32 to index
      %swap3A_899 = arith.index_cast %add3A_896 : i32 to index
      %swap3A_900 = tpu.vector_load %arg8[%swap3A_898, %swap3A_899] {strides = array<i32>} : memref<20x2048xf32, #tpu.memory_space<vmem>>, vector<16xf32>,
      tpu.vector_store %arg8[%swap3A_898, %swap3A_899], %gather3A_892 {strides = array<i32>} : memref<20x2048xf32, #tpu.memory_space<vmem>>, vector<16xf32>,
      %add3A_901 = arith.constant 8 : i32
      %add3A_902 = vector.broadcast %add3A_901 : i32 to vector<16xi32>
      %add3A_903 = arith.addi %mul3A_804, %add3A_902 : vector<16xi32>
      %gather3A_904 = tpu.vector_load_idx %arg7[%add3A_903] : memref<20000xf32, #tpu.memory_space<vmem>>[vector<16xi32>], vector<16xf32>,
      %mul3A_905 = arith.constant 64 : i32
      %mul3A_906 = arith.muli %scan3A_51, %mul3A_905 : i32
      %add3A_907 = arith.constant 48 : i32
      %add3A_908 = arith.addi %mul3A_906, %add3A_907 : i32
      %swap3A_909 = arith.constant 8 : i32
      %swap3A_910 = arith.index_cast %swap3A_909 : i32 to index
      %swap3A_911 = arith.index_cast %add3A_908 : i32 to index
      %swap3A_912 = tpu.vector_load %arg8[%swap3A_910, %swap3A_911] {strides = array<i32>} : memref<20x2048xf32, #tpu.memory_space<vmem>>, vector<16xf32>,
      tpu.vector_store %arg8[%swap3A_910, %swap3A_911], %gather3A_904 {strides = array<i32>} : memref<20x2048xf32, #tpu.memory_space<vmem>>, vector<16xf32>,
      %add3A_913 = arith.constant 9 : i32
      %add3A_914 = vector.broadcast %add3A_913 : i32 to vector<16xi32>
      %add3A_915 = arith.addi %mul3A_804, %add3A_914 : vector<16xi32>
      %gather3A_916 = tpu.vector_load_idx %arg7[%add3A_915] : memref<20000xf32, #tpu.memory_space<vmem>>[vector<16xi32>], vector<16xf32>,
      %mul3A_917 = arith.constant 64 : i32
      %mul3A_918 = arith.muli %scan3A_51, %mul3A_917 : i32
      %add3A_919 = arith.constant 48 : i32
      %add3A_920 = arith.addi %mul3A_918, %add3A_919 : i32
      %swap3A_921 = arith.constant 9 : i32
      %swap3A_922 = arith.index_cast %swap3A_921 : i32 to index
      %swap3A_923 = arith.index_cast %add3A_920 : i32 to index
      %swap3A_924 = tpu.vector_load %arg8[%swap3A_922, %swap3A_923] {strides = array<i32>} : memref<20x2048xf32, #tpu.memory_space<vmem>>, vector<16xf32>,
      tpu.vector_store %arg8[%swap3A_922, %swap3A_923], %gather3A_916 {strides = array<i32>} : memref<20x2048xf32, #tpu.memory_space<vmem>>, vector<16xf32>,
      %add3A_925 = arith.constant 10 : i32
      %add3A_926 = vector.broadcast %add3A_925 : i32 to vector<16xi32>
      %add3A_927 = arith.addi %mul3A_804, %add3A_926 : vector<16xi32>
      %gather3A_928 = tpu.vector_load_idx %arg7[%add3A_927] : memref<20000xf32, #tpu.memory_space<vmem>>[vector<16xi32>], vector<16xf32>,
      %mul3A_929 = arith.constant 64 : i32
      %mul3A_930 = arith.muli %scan3A_51, %mul3A_929 : i32
      %add3A_931 = arith.constant 48 : i32
      %add3A_932 = arith.addi %mul3A_930, %add3A_931 : i32
      %swap3A_933 = arith.constant 10 : i32
      %swap3A_934 = arith.index_cast %swap3A_933 : i32 to index
      %swap3A_935 = arith.index_cast %add3A_932 : i32 to index
      %swap3A_936 = tpu.vector_load %arg8[%swap3A_934, %swap3A_935] {strides = array<i32>} : memref<20x2048xf32, #tpu.memory_space<vmem>>, vector<16xf32>,
      tpu.vector_store %arg8[%swap3A_934, %swap3A_935], %gather3A_928 {strides = array<i32>} : memref<20x2048xf32, #tpu.memory_space<vmem>>, vector<16xf32>,
      %add3A_937 = arith.constant 11 : i32
      %add3A_938 = vector.broadcast %add3A_937 : i32 to vector<16xi32>
      %add3A_939 = arith.addi %mul3A_804, %add3A_938 : vector<16xi32>
      %gather3A_940 = tpu.vector_load_idx %arg7[%add3A_939] : memref<20000xf32, #tpu.memory_space<vmem>>[vector<16xi32>], vector<16xf32>,
      %mul3A_941 = arith.constant 64 : i32
      %mul3A_942 = arith.muli %scan3A_51, %mul3A_941 : i32
      %add3A_943 = arith.constant 48 : i32
      %add3A_944 = arith.addi %mul3A_942, %add3A_943 : i32
      %swap3A_945 = arith.constant 11 : i32
      %swap3A_946 = arith.index_cast %swap3A_945 : i32 to index
      %swap3A_947 = arith.index_cast %add3A_944 : i32 to index
      %swap3A_948 = tpu.vector_load %arg8[%swap3A_946, %swap3A_947] {strides = array<i32>} : memref<20x2048xf32, #tpu.memory_space<vmem>>, vector<16xf32>,
      tpu.vector_store %arg8[%swap3A_946, %swap3A_947], %gather3A_940 {strides = array<i32>} : memref<20x2048xf32, #tpu.memory_space<vmem>>, vector<16xf32>,
      %add3A_949 = arith.constant 12 : i32
      %add3A_950 = vector.broadcast %add3A_949 : i32 to vector<16xi32>
      %add3A_951 = arith.addi %mul3A_804, %add3A_950 : vector<16xi32>
      %gather3A_952 = tpu.vector_load_idx %arg7[%add3A_951] : memref<20000xf32, #tpu.memory_space<vmem>>[vector<16xi32>], vector<16xf32>,
      %mul3A_953 = arith.constant 64 : i32
      %mul3A_954 = arith.muli %scan3A_51, %mul3A_953 : i32
      %add3A_955 = arith.constant 48 : i32
      %add3A_956 = arith.addi %mul3A_954, %add3A_955 : i32
      %swap3A_957 = arith.constant 12 : i32
      %swap3A_958 = arith.index_cast %swap3A_957 : i32 to index
      %swap3A_959 = arith.index_cast %add3A_956 : i32 to index
      %swap3A_960 = tpu.vector_load %arg8[%swap3A_958, %swap3A_959] {strides = array<i32>} : memref<20x2048xf32, #tpu.memory_space<vmem>>, vector<16xf32>,
      tpu.vector_store %arg8[%swap3A_958, %swap3A_959], %gather3A_952 {strides = array<i32>} : memref<20x2048xf32, #tpu.memory_space<vmem>>, vector<16xf32>,
      %add3A_961 = arith.constant 13 : i32
      %add3A_962 = vector.broadcast %add3A_961 : i32 to vector<16xi32>
      %add3A_963 = arith.addi %mul3A_804, %add3A_962 : vector<16xi32>
      %gather3A_964 = tpu.vector_load_idx %arg7[%add3A_963] : memref<20000xf32, #tpu.memory_space<vmem>>[vector<16xi32>], vector<16xf32>,
      %mul3A_965 = arith.constant 64 : i32
      %mul3A_966 = arith.muli %scan3A_51, %mul3A_965 : i32
      %add3A_967 = arith.constant 48 : i32
      %add3A_968 = arith.addi %mul3A_966, %add3A_967 : i32
      %swap3A_969 = arith.constant 13 : i32
      %swap3A_970 = arith.index_cast %swap3A_969 : i32 to index
      %swap3A_971 = arith.index_cast %add3A_968 : i32 to index
      %swap3A_972 = tpu.vector_load %arg8[%swap3A_970, %swap3A_971] {strides = array<i32>} : memref<20x2048xf32, #tpu.memory_space<vmem>>, vector<16xf32>,
      tpu.vector_store %arg8[%swap3A_970, %swap3A_971], %gather3A_964 {strides = array<i32>} : memref<20x2048xf32, #tpu.memory_space<vmem>>, vector<16xf32>,
      %add3A_973 = arith.constant 14 : i32
      %add3A_974 = vector.broadcast %add3A_973 : i32 to vector<16xi32>
      %add3A_975 = arith.addi %mul3A_804, %add3A_974 : vector<16xi32>
      %gather3A_976 = tpu.vector_load_idx %arg7[%add3A_975] : memref<20000xf32, #tpu.memory_space<vmem>>[vector<16xi32>], vector<16xf32>,
      %mul3A_977 = arith.constant 64 : i32
      %mul3A_978 = arith.muli %scan3A_51, %mul3A_977 : i32
      %add3A_979 = arith.constant 48 : i32
      %add3A_980 = arith.addi %mul3A_978, %add3A_979 : i32
      %swap3A_981 = arith.constant 14 : i32
      %swap3A_982 = arith.index_cast %swap3A_981 : i32 to index
      %swap3A_983 = arith.index_cast %add3A_980 : i32 to index
      %swap3A_984 = tpu.vector_load %arg8[%swap3A_982, %swap3A_983] {strides = array<i32>} : memref<20x2048xf32, #tpu.memory_space<vmem>>, vector<16xf32>,
      tpu.vector_store %arg8[%swap3A_982, %swap3A_983], %gather3A_976 {strides = array<i32>} : memref<20x2048xf32, #tpu.memory_space<vmem>>, vector<16xf32>,
      %add3A_985 = arith.constant 15 : i32
      %add3A_986 = vector.broadcast %add3A_985 : i32 to vector<16xi32>
      %add3A_987 = arith.addi %mul3A_804, %add3A_986 : vector<16xi32>
      %gather3A_988 = tpu.vector_load_idx %arg7[%add3A_987] : memref<20000xf32, #tpu.memory_space<vmem>>[vector<16xi32>], vector<16xf32>,
      %mul3A_989 = arith.constant 64 : i32
      %mul3A_990 = arith.muli %scan3A_51, %mul3A_989 : i32
      %add3A_991 = arith.constant 48 : i32
      %add3A_992 = arith.addi %mul3A_990, %add3A_991 : i32
      %swap3A_993 = arith.constant 15 : i32
      %swap3A_994 = arith.index_cast %swap3A_993 : i32 to index
      %swap3A_995 = arith.index_cast %add3A_992 : i32 to index
      %swap3A_996 = tpu.vector_load %arg8[%swap3A_994, %swap3A_995] {strides = array<i32>} : memref<20x2048xf32, #tpu.memory_space<vmem>>, vector<16xf32>,
      tpu.vector_store %arg8[%swap3A_994, %swap3A_995], %gather3A_988 {strides = array<i32>} : memref<20x2048xf32, #tpu.memory_space<vmem>>, vector<16xf32>,
      %add3A_997 = arith.constant 16 : i32
      %add3A_998 = vector.broadcast %add3A_997 : i32 to vector<16xi32>
      %add3A_999 = arith.addi %mul3A_804, %add3A_998 : vector<16xi32>
      %gather3A_1000 = tpu.vector_load_idx %arg7[%add3A_999] : memref<20000xf32, #tpu.memory_space<vmem>>[vector<16xi32>], vector<16xf32>,
      %mul3A_1001 = arith.constant 64 : i32
      %mul3A_1002 = arith.muli %scan3A_51, %mul3A_1001 : i32
      %add3A_1003 = arith.constant 48 : i32
      %add3A_1004 = arith.addi %mul3A_1002, %add3A_1003 : i32
      %swap3A_1005 = arith.constant 16 : i32
      %swap3A_1006 = arith.index_cast %swap3A_1005 : i32 to index
      %swap3A_1007 = arith.index_cast %add3A_1004 : i32 to index
      %swap3A_1008 = tpu.vector_load %arg8[%swap3A_1006, %swap3A_1007] {strides = array<i32>} : memref<20x2048xf32, #tpu.memory_space<vmem>>, vector<16xf32>,
      tpu.vector_store %arg8[%swap3A_1006, %swap3A_1007], %gather3A_1000 {strides = array<i32>} : memref<20x2048xf32, #tpu.memory_space<vmem>>, vector<16xf32>,
      %add3A_1009 = arith.constant 17 : i32
      %add3A_1010 = vector.broadcast %add3A_1009 : i32 to vector<16xi32>
      %add3A_1011 = arith.addi %mul3A_804, %add3A_1010 : vector<16xi32>
      %gather3A_1012 = tpu.vector_load_idx %arg7[%add3A_1011] : memref<20000xf32, #tpu.memory_space<vmem>>[vector<16xi32>], vector<16xf32>,
      %mul3A_1013 = arith.constant 64 : i32
      %mul3A_1014 = arith.muli %scan3A_51, %mul3A_1013 : i32
      %add3A_1015 = arith.constant 48 : i32
      %add3A_1016 = arith.addi %mul3A_1014, %add3A_1015 : i32
      %swap3A_1017 = arith.constant 17 : i32
      %swap3A_1018 = arith.index_cast %swap3A_1017 : i32 to index
      %swap3A_1019 = arith.index_cast %add3A_1016 : i32 to index
      %swap3A_1020 = tpu.vector_load %arg8[%swap3A_1018, %swap3A_1019] {strides = array<i32>} : memref<20x2048xf32, #tpu.memory_space<vmem>>, vector<16xf32>,
      tpu.vector_store %arg8[%swap3A_1018, %swap3A_1019], %gather3A_1012 {strides = array<i32>} : memref<20x2048xf32, #tpu.memory_space<vmem>>, vector<16xf32>,
      %add3A_1021 = arith.constant 18 : i32
      %add3A_1022 = vector.broadcast %add3A_1021 : i32 to vector<16xi32>
      %add3A_1023 = arith.addi %mul3A_804, %add3A_1022 : vector<16xi32>
      %gather3A_1024 = tpu.vector_load_idx %arg7[%add3A_1023] : memref<20000xf32, #tpu.memory_space<vmem>>[vector<16xi32>], vector<16xf32>,
      %mul3A_1025 = arith.constant 64 : i32
      %mul3A_1026 = arith.muli %scan3A_51, %mul3A_1025 : i32
      %add3A_1027 = arith.constant 48 : i32
      %add3A_1028 = arith.addi %mul3A_1026, %add3A_1027 : i32
      %swap3A_1029 = arith.constant 18 : i32
      %swap3A_1030 = arith.index_cast %swap3A_1029 : i32 to index
      %swap3A_1031 = arith.index_cast %add3A_1028 : i32 to index
      %swap3A_1032 = tpu.vector_load %arg8[%swap3A_1030, %swap3A_1031] {strides = array<i32>} : memref<20x2048xf32, #tpu.memory_space<vmem>>, vector<16xf32>,
      tpu.vector_store %arg8[%swap3A_1030, %swap3A_1031], %gather3A_1024 {strides = array<i32>} : memref<20x2048xf32, #tpu.memory_space<vmem>>, vector<16xf32>,
      %add3A_1033 = arith.constant 19 : i32
      %add3A_1034 = vector.broadcast %add3A_1033 : i32 to vector<16xi32>
      %add3A_1035 = arith.addi %mul3A_804, %add3A_1034 : vector<16xi32>
      %gather3A_1036 = tpu.vector_load_idx %arg7[%add3A_1035] : memref<20000xf32, #tpu.memory_space<vmem>>[vector<16xi32>], vector<16xf32>,
      %mul3A_1037 = arith.constant 64 : i32
      %mul3A_1038 = arith.muli %scan3A_51, %mul3A_1037 : i32
      %add3A_1039 = arith.constant 48 : i32
      %add3A_1040 = arith.addi %mul3A_1038, %add3A_1039 : i32
      %swap3A_1041 = arith.constant 19 : i32
      %swap3A_1042 = arith.index_cast %swap3A_1041 : i32 to index
      %swap3A_1043 = arith.index_cast %add3A_1040 : i32 to index
      %swap3A_1044 = tpu.vector_load %arg8[%swap3A_1042, %swap3A_1043] {strides = array<i32>} : memref<20x2048xf32, #tpu.memory_space<vmem>>, vector<16xf32>,
      tpu.vector_store %arg8[%swap3A_1042, %swap3A_1043], %gather3A_1036 {strides = array<i32>} : memref<20x2048xf32, #tpu.memory_space<vmem>>, vector<16xf32>,
      tpu.vector_store_idx %arg9[%iota3A, %get3A_56], %broadcast_in_dim3A_33 {add = true} : memref<16x1024xf32, #tpu.memory_space<vmem>>[vector<16xi32>, vector<16xi32>], vector<16xf32>,
      tpu.vector_store_idx %arg9[%iota3A, %get3A_62], %broadcast_in_dim3A_33 {add = true} : memref<16x1024xf32, #tpu.memory_space<vmem>>[vector<16xi32>, vector<16xi32>], vector<16xf32>,
      tpu.vector_store_idx %arg9[%iota3A, %get3A_68], %broadcast_in_dim3A_33 {add = true} : memref<16x1024xf32, #tpu.memory_space<vmem>>[vector<16xi32>, vector<16xi32>], vector<16xf32>,
      tpu.vector_store_idx %arg9[%iota3A, %get3A_74], %broadcast_in_dim3A_33 {add = true} : memref<16x1024xf32, #tpu.memory_space<vmem>>[vector<16xi32>, vector<16xi32>], vector<16xf32>,
    }
    %scan3A_44 = arith.constant 32 : i32
    %scan3A_45 = arith.constant 0 : i32
    %scan3A_46 = arith.constant 0 : i32
    %scan3A_47 = arith.constant 64 : i32
    %scan3A_48 = arith.addi %scan3A_46, %scan3A_47 : i32
    %scan3A_49 = arith.constant 1 : i32
    scf.for %scan3A_51 = %scan3A_46 to %scan3A_48 step %scan3A_49  : i32 {
      %mul3A_52 = arith.constant 16 : i32
      %mul3A_53 = arith.muli %scan3A_51, %mul3A_52 : i32
      %get3A = arith.constant 0 : i32
      %get3A_54 = arith.index_cast %get3A : i32 to index
      %get3A_55 = arith.index_cast %mul3A_53 : i32 to index
      %get3A_56 = tpu.vector_load %arg9[%get3A_54, %get3A_55] {strides = array<i32>} : memref<16x1024xf32, #tpu.memory_space<vmem>>, vector<16xf32>,
      %mul3A_57 = arith.constant 16 : i32
      %mul3A_58 = arith.muli %scan3A_51, %mul3A_57 : i32
      %get3A_59 = arith.constant 1 : i32
      %get3A_60 = arith.index_cast %get3A_59 : i32 to index
      %get3A_61 = arith.index_cast %mul3A_58 : i32 to index
      %get3A_62 = tpu.vector_load %arg9[%get3A_60, %get3A_61] {strides = array<i32>} : memref<16x1024xf32, #tpu.memory_space<vmem>>, vector<16xf32>,
      %add3A_63 = arith.addf %get3A_56, %get3A_62 : vector<16xf32>
      %mul3A_64 = arith.constant 16 : i32
      %mul3A_65 = arith.muli %scan3A_51, %mul3A_64 : i32
      %get3A_66 = arith.constant 2 : i32
      %get3A_67 = arith.index_cast %get3A_66 : i32 to index
      %get3A_68 = arith.index_cast %mul3A_65 : i32 to index
      %get3A_69 = tpu.vector_load %arg9[%get3A_67, %get3A_68] {strides = array<i32>} : memref<16x1024xf32, #tpu.memory_space<vmem>>, vector<16xf32>,
      %add3A_70 = arith.addf %add3A_63, %get3A_69 : vector<16xf32>
      %mul3A_71 = arith.constant 16 : i32
      %mul3A_72 = arith.muli %scan3A_51, %mul3A_71 : i32
      %get3A_73 = arith.constant 3 : i32
      %get3A_74 = arith.index_cast %get3A_73 : i32 to index
      %get3A_75 = arith.index_cast %mul3A_72 : i32 to index
      %get3A_76 = tpu.vector_load %arg9[%get3A_74, %get3A_75] {strides = array<i32>} : memref<16x1024xf32, #tpu.memory_space<vmem>>, vector<16xf32>,
      %add3A_77 = arith.addf %add3A_70, %get3A_76 : vector<16xf32>
      %mul3A_78 = arith.constant 16 : i32
      %mul3A_79 = arith.muli %scan3A_51, %mul3A_78 : i32
      %get3A_80 = arith.constant 4 : i32
      %get3A_81 = arith.index_cast %get3A_80 : i32 to index
      %get3A_82 = arith.index_cast %mul3A_79 : i32 to index
      %get3A_83 = tpu.vector_load %arg9[%get3A_81, %get3A_82] {strides = array<i32>} : memref<16x1024xf32, #tpu.memory_space<vmem>>, vector<16xf32>,
      %add3A_84 = arith.addf %add3A_77, %get3A_83 : vector<16xf32>
      %mul3A_85 = arith.constant 16 : i32
      %mul3A_86 = arith.muli %scan3A_51, %mul3A_85 : i32
      %get3A_87 = arith.constant 5 : i32
      %get3A_88 = arith.index_cast %get3A_87 : i32 to index
      %get3A_89 = arith.index_cast %mul3A_86 : i32 to index
      %get3A_90 = tpu.vector_load %arg9[%get3A_88, %get3A_89] {strides = array<i32>} : memref<16x1024xf32, #tpu.memory_space<vmem>>, vector<16xf32>,
      %add3A_91 = arith.addf %add3A_84, %get3A_90 : vector<16xf32>
      %mul3A_92 = arith.constant 16 : i32
      %mul3A_93 = arith.muli %scan3A_51, %mul3A_92 : i32
      %get3A_94 = arith.constant 6 : i32
      %get3A_95 = arith.index_cast %get3A_94 : i32 to index
      %get3A_96 = arith.index_cast %mul3A_93 : i32 to index
      %get3A_97 = tpu.vector_load %arg9[%get3A_95, %get3A_96] {strides = array<i32>} : memref<16x1024xf32, #tpu.memory_space<vmem>>, vector<16xf32>,
      %add3A_98 = arith.addf %add3A_91, %get3A_97 : vector<16xf32>
      %mul3A_99 = arith.constant 16 : i32
      %mul3A_100 = arith.muli %scan3A_51, %mul3A_99 : i32
      %get3A_101 = arith.constant 7 : i32
      %get3A_102 = arith.index_cast %get3A_101 : i32 to index
      %get3A_103 = arith.index_cast %mul3A_100 : i32 to index
      %get3A_104 = tpu.vector_load %arg9[%get3A_102, %get3A_103] {strides = array<i32>} : memref<16x1024xf32, #tpu.memory_space<vmem>>, vector<16xf32>,
      %add3A_105 = arith.addf %add3A_98, %get3A_104 : vector<16xf32>
      %mul3A_106 = arith.constant 16 : i32
      %mul3A_107 = arith.muli %scan3A_51, %mul3A_106 : i32
      %get3A_108 = arith.constant 8 : i32
      %get3A_109 = arith.index_cast %get3A_108 : i32 to index
      %get3A_110 = arith.index_cast %mul3A_107 : i32 to index
      %get3A_111 = tpu.vector_load %arg9[%get3A_109, %get3A_110] {strides = array<i32>} : memref<16x1024xf32, #tpu.memory_space<vmem>>, vector<16xf32>,
      %add3A_112 = arith.addf %add3A_105, %get3A_111 : vector<16xf32>
      %mul3A_113 = arith.constant 16 : i32
      %mul3A_114 = arith.muli %scan3A_51, %mul3A_113 : i32
      %get3A_115 = arith.constant 9 : i32
      %get3A_116 = arith.index_cast %get3A_115 : i32 to index
      %get3A_117 = arith.index_cast %mul3A_114 : i32 to index
      %get3A_118 = tpu.vector_load %arg9[%get3A_116, %get3A_117] {strides = array<i32>} : memref<16x1024xf32, #tpu.memory_space<vmem>>, vector<16xf32>,
      %add3A_119 = arith.addf %add3A_112, %get3A_118 : vector<16xf32>
      %mul3A_120 = arith.constant 16 : i32
      %mul3A_121 = arith.muli %scan3A_51, %mul3A_120 : i32
      %get3A_122 = arith.constant 10 : i32
      %get3A_123 = arith.index_cast %get3A_122 : i32 to index
      %get3A_124 = arith.index_cast %mul3A_121 : i32 to index
      %get3A_125 = tpu.vector_load %arg9[%get3A_123, %get3A_124] {strides = array<i32>} : memref<16x1024xf32, #tpu.memory_space<vmem>>, vector<16xf32>,
      %add3A_126 = arith.addf %add3A_119, %get3A_125 : vector<16xf32>
      %mul3A_127 = arith.constant 16 : i32
      %mul3A_128 = arith.muli %scan3A_51, %mul3A_127 : i32
      %get3A_129 = arith.constant 11 : i32
      %get3A_130 = arith.index_cast %get3A_129 : i32 to index
      %get3A_131 = arith.index_cast %mul3A_128 : i32 to index
      %get3A_132 = tpu.vector_load %arg9[%get3A_130, %get3A_131] {strides = array<i32>} : memref<16x1024xf32, #tpu.memory_space<vmem>>, vector<16xf32>,
      %add3A_133 = arith.addf %add3A_126, %get3A_132 : vector<16xf32>
      %mul3A_134 = arith.constant 16 : i32
      %mul3A_135 = arith.muli %scan3A_51, %mul3A_134 : i32
      %get3A_136 = arith.constant 12 : i32
      %get3A_137 = arith.index_cast %get3A_136 : i32 to index
      %get3A_138 = arith.index_cast %mul3A_135 : i32 to index
      %get3A_139 = tpu.vector_load %arg9[%get3A_137, %get3A_138] {strides = array<i32>} : memref<16x1024xf32, #tpu.memory_space<vmem>>, vector<16xf32>,
      %add3A_140 = arith.addf %add3A_133, %get3A_139 : vector<16xf32>
      %mul3A_141 = arith.constant 16 : i32
      %mul3A_142 = arith.muli %scan3A_51, %mul3A_141 : i32
      %get3A_143 = arith.constant 13 : i32
      %get3A_144 = arith.index_cast %get3A_143 : i32 to index
      %get3A_145 = arith.index_cast %mul3A_142 : i32 to index
      %get3A_146 = tpu.vector_load %arg9[%get3A_144, %get3A_145] {strides = array<i32>} : memref<16x1024xf32, #tpu.memory_space<vmem>>, vector<16xf32>,
      %add3A_147 = arith.addf %add3A_140, %get3A_146 : vector<16xf32>
      %mul3A_148 = arith.constant 16 : i32
      %mul3A_149 = arith.muli %scan3A_51, %mul3A_148 : i32
      %get3A_150 = arith.constant 14 : i32
      %get3A_151 = arith.index_cast %get3A_150 : i32 to index
      %get3A_152 = arith.index_cast %mul3A_149 : i32 to index
      %get3A_153 = tpu.vector_load %arg9[%get3A_151, %get3A_152] {strides = array<i32>} : memref<16x1024xf32, #tpu.memory_space<vmem>>, vector<16xf32>,
      %add3A_154 = arith.addf %add3A_147, %get3A_153 : vector<16xf32>
      %mul3A_155 = arith.constant 16 : i32
      %mul3A_156 = arith.muli %scan3A_51, %mul3A_155 : i32
      %get3A_157 = arith.constant 15 : i32
      %get3A_158 = arith.index_cast %get3A_157 : i32 to index
      %get3A_159 = arith.index_cast %mul3A_156 : i32 to index
      %get3A_160 = tpu.vector_load %arg9[%get3A_158, %get3A_159] {strides = array<i32>} : memref<16x1024xf32, #tpu.memory_space<vmem>>, vector<16xf32>,
      %add3A_161 = arith.addf %add3A_154, %get3A_160 : vector<16xf32>
      %mul3A_162 = arith.constant 16 : i32
      %mul3A_163 = arith.muli %scan3A_51, %mul3A_162 : i32
      %swap3A = arith.index_cast %mul3A_163 : i32 to index
      %swap3A_164 = tpu.vector_load %arg10[%swap3A] {strides = array<i32>} : memref<1024xf32, #tpu.memory_space<vmem>>, vector<16xf32>,
      tpu.vector_store %arg10[%swap3A], %add3A_161 {strides = array<i32>} : memref<1024xf32, #tpu.memory_space<vmem>>, vector<16xf32>,
    }
    %scan3A_50 = arith.constant 64 : i32
    "tpu.region"() ({
      %run_scoped3A = tpu.sem_alloc : memref<!tpu.dma_semaphore, #tpu.memory_space<semaphore_mem>>
      %dma_start3A = arith.constant 0 : i32
      %dma_start3A_51 = tpu.memref_slice %arg4[%select_n3A, %dma_start3A, %select_n3A_32] : memref<16x20x4096xf32, #tpu.memory_space<hbm>> -> memref<1x20x2048xf32, #tpu.memory_space<hbm>>
      %dma_start3A_52 = tpu.memref_squeeze %dma_start3A_51 : memref<1x20x2048xf32, #tpu.memory_space<hbm>> -> memref<20x2048xf32, #tpu.memory_space<hbm>>
      %dma_start3A_53 = arith.constant 0 : i32
      %dma_start3A_54 = tpu.memref_slice %arg4[%select_n3A, %dma_start3A_53, %select_n3A_32] : memref<16x20x4096xf32, #tpu.memory_space<hbm>> -> memref<1x20x2048xf32, #tpu.memory_space<hbm>>
      %dma_start3A_55 = tpu.memref_squeeze %dma_start3A_54 : memref<1x20x2048xf32, #tpu.memory_space<hbm>> -> memref<20x2048xf32, #tpu.memory_space<hbm>>
      tpu.enqueue_dma source(%arg8 : memref<20x2048xf32, #tpu.memory_space<vmem>>) target(%dma_start3A_55 : memref<20x2048xf32, #tpu.memory_space<hbm>>) target_semaphore(%run_scoped3A : memref<!tpu.dma_semaphore, #tpu.memory_space<semaphore_mem>>)
      %dma_wait3A = arith.constant 0 : i32
      %dma_wait3A_56 = tpu.memref_slice %arg4[%select_n3A, %dma_wait3A, %select_n3A_32] : memref<16x20x4096xf32, #tpu.memory_space<hbm>> -> memref<1x20x2048xf32, #tpu.memory_space<hbm>>
      %dma_wait3A_57 = tpu.memref_squeeze %dma_wait3A_56 : memref<1x20x2048xf32, #tpu.memory_space<hbm>> -> memref<20x2048xf32, #tpu.memory_space<hbm>>
      %dma_wait3A_58 = arith.constant 0 : i32
      %dma_wait3A_59 = tpu.memref_slice %arg4[%select_n3A, %dma_wait3A_58, %select_n3A_32] : memref<16x20x4096xf32, #tpu.memory_space<hbm>> -> memref<1x20x2048xf32, #tpu.memory_space<hbm>>
      %dma_wait3A_60 = tpu.memref_squeeze %dma_wait3A_59 : memref<1x20x2048xf32, #tpu.memory_space<hbm>> -> memref<20x2048xf32, #tpu.memory_space<hbm>>
      tpu.wait_dma2 semaphore(%run_scoped3A : memref<!tpu.dma_semaphore, #tpu.memory_space<semaphore_mem>>) src(%arg8 : memref<20x2048xf32, #tpu.memory_space<vmem>>) dst(%dma_wait3A_60 : memref<20x2048xf32, #tpu.memory_space<hbm>>)
      tpu.yield
    }) : () -> ()
    "tpu.region"() ({
      %run_scoped3A = tpu.sem_alloc : memref<!tpu.dma_semaphore, #tpu.memory_space<semaphore_mem>>
      %dma_start3A = arith.constant 0 : i32
      %dma_start3A_51 = tpu.memref_slice %arg5[%add3A, %dma_start3A] : memref<32x1024xf32, #tpu.memory_space<hbm>> -> memref<1x1024xf32, #tpu.memory_space<hbm>>
      %dma_start3A_52 = tpu.memref_squeeze %dma_start3A_51 : memref<1x1024xf32, #tpu.memory_space<hbm>> -> memref<1024xf32, #tpu.memory_space<hbm>>
      %dma_start3A_53 = arith.constant 0 : i32
      %dma_start3A_54 = tpu.memref_slice %arg5[%add3A, %dma_start3A_53] : memref<32x1024xf32, #tpu.memory_space<hbm>> -> memref<1x1024xf32, #tpu.memory_space<hbm>>
      %dma_start3A_55 = tpu.memref_squeeze %dma_start3A_54 : memref<1x1024xf32, #tpu.memory_space<hbm>> -> memref<1024xf32, #tpu.memory_space<hbm>>
      tpu.enqueue_dma source(%arg10 : memref<1024xf32, #tpu.memory_space<vmem>>) target(%dma_start3A_55 : memref<1024xf32, #tpu.memory_space<hbm>>) target_semaphore(%run_scoped3A : memref<!tpu.dma_semaphore, #tpu.memory_space<semaphore_mem>>)
      %dma_wait3A = arith.constant 0 : i32
      %dma_wait3A_56 = tpu.memref_slice %arg5[%add3A, %dma_wait3A] : memref<32x1024xf32, #tpu.memory_space<hbm>> -> memref<1x1024xf32, #tpu.memory_space<hbm>>
      %dma_wait3A_57 = tpu.memref_squeeze %dma_wait3A_56 : memref<1x1024xf32, #tpu.memory_space<hbm>> -> memref<1024xf32, #tpu.memory_space<hbm>>
      %dma_wait3A_58 = arith.constant 0 : i32
      %dma_wait3A_59 = tpu.memref_slice %arg5[%add3A, %dma_wait3A_58] : memref<32x1024xf32, #tpu.memory_space<hbm>> -> memref<1x1024xf32, #tpu.memory_space<hbm>>
      %dma_wait3A_60 = tpu.memref_squeeze %dma_wait3A_59 : memref<1x1024xf32, #tpu.memory_space<hbm>> -> memref<1024xf32, #tpu.memory_space<hbm>>
      tpu.wait_dma2 semaphore(%run_scoped3A : memref<!tpu.dma_semaphore, #tpu.memory_space<semaphore_mem>>) src(%arg10 : memref<1024xf32, #tpu.memory_space<vmem>>) dst(%dma_wait3A_60 : memref<1024xf32, #tpu.memory_space<hbm>>)
      tpu.yield
    }) : () -> ()
    return
  }
}

module attributes {stable_mosaic.version = 14 : i64} {
  func.func @_argmin_body(%arg0: i32, %arg1: memref<1x20x4096xf32, #tpu.memory_space<vmem>>, %arg2: memref<1024x20xf32, #tpu.memory_space<vmem>>, %arg3: memref<1024x1xf32, #tpu.memory_space<vmem>>, %arg4: memref<1x1x4096xi32, #tpu.memory_space<vmem>>) attributes {dimension_semantics = [#tpu.dimension_semantics<arbitrary>], iteration_bounds = array<i64: 16>, scalar_prefetch = 0 : i64, scratch_operands = 0 : i64, tpu.core_type = #tpu.core_type<tc>, window_params = [{transform_indices = @transform_0, window_bounds = array<i64: 1, 20, 4096>}, {pipeline_mode = #tpu.pipeline_mode<synchronous>, transform_indices = @transform_1, window_bounds = array<i64: 1024, 20>}, {pipeline_mode = #tpu.pipeline_mode<synchronous>, transform_indices = @transform_2, window_bounds = array<i64: 1024, 1>}, {transform_indices = @transform_3, window_bounds = array<i64: 1, 1, 4096>}]} {
    %get3A = arith.constant 0 : index
    %get3A_0 = arith.constant 0 : index
    %get3A_1 = arith.constant 0 : index
    %get3A_2 = vector.load %arg1[%get3A, %get3A_0, %get3A_1] : memref<1x20x4096xf32, #tpu.memory_space<vmem>>, vector<1x20x4096xf32>
    %get3A_3 = vector.shape_cast %get3A_2 : vector<1x20x4096xf32> to vector<20x4096xf32>
    %get3A_4 = arith.constant 0 : index
    %get3A_5 = arith.constant 0 : index
    %get3A_6 = vector.load %arg2[%get3A_4, %get3A_5] : memref<1024x20xf32, #tpu.memory_space<vmem>>, vector<1024x20xf32>
    %dot_general3A = arith.constant dense<0.000000e+00> : vector<1024x4096xf32>
    %dot_general3A_7 = tpu.matmul %get3A_6, %get3A_3, %dot_general3A {dimension_numbers = #tpu.dot_dimension_numbers<[1], [0], [0], [1], [0, 0, 1, 1], [], []>, transpose_lhs_hint = false} : vector<1024x20xf32>, vector<20x4096xf32>, vector<1024x4096xf32> -> vector<1024x4096xf32>
    %get3A_8 = arith.constant 0 : index
    %get3A_9 = arith.constant 0 : index
    %get3A_10 = vector.load %arg3[%get3A_8, %get3A_9] : memref<1024x1xf32, #tpu.memory_space<vmem>>, vector<1024x1xf32>
    %add3A = vector.broadcast %get3A_10 : vector<1024x1xf32> to vector<1024x4096xf32>
    %add3A_11 = arith.addf %dot_general3A_7, %add3A : vector<1024x4096xf32>
    %argmin3A = tpu.reduce_index %add3A_11 {axis = 0 : i32, kind = #tpu.reduction_kind<arg_min>} : vector<1024x4096xf32> -> vector<4096xi32>
    %swap3A = arith.constant 0 : index
    %swap3A_12 = arith.constant 0 : index
    %swap3A_13 = arith.constant 0 : index
    %swap3A_14 = vector.load %arg4[%swap3A, %swap3A_12, %swap3A_13] : memref<1x1x4096xi32, #tpu.memory_space<vmem>>, vector<1x1x4096xi32>
    %swap3A_15 = vector.shape_cast %swap3A_14 : vector<1x1x4096xi32> to vector<4096xi32>
    %swap3A_16 = vector.shape_cast %argmin3A : vector<4096xi32> to vector<1x1x4096xi32>
    tpu.vector_store %arg4[%swap3A, %swap3A_12, %swap3A_13], %swap3A_16 {strides = array<i32>} : memref<1x1x4096xi32, #tpu.memory_space<vmem>>, vector<1x1x4096xi32>,
    return
  }
  func.func @transform_0(%arg0: i32) -> (i32, i32, i32) {
    %jit3A = arith.constant 1 : i32
    %div3A = arith.divsi %arg0, %jit3A : i32
    %sign3A = arith.constant 0 : i32
    %sign3A_0 = arith.cmpi sgt, %arg0, %sign3A : i32
    %sign3A_1 = arith.extui %sign3A_0 : i1 to i32
    %sign3A_2 = arith.constant 0 : i32
    %sign3A_3 = arith.cmpi slt, %arg0, %sign3A_2 : i32
    %sign3A_4 = arith.extui %sign3A_3 : i1 to i32
    %sign3A_5 = arith.subi %sign3A_1, %sign3A_4 : i32
    %sign3A_6 = arith.constant 0 : i32
    %sign3A_7 = arith.cmpi sgt, %jit3A, %sign3A_6 : i32
    %sign3A_8 = arith.extui %sign3A_7 : i1 to i32
    %sign3A_9 = arith.constant 0 : i32
    %sign3A_10 = arith.cmpi slt, %jit3A, %sign3A_9 : i32
    %sign3A_11 = arith.extui %sign3A_10 : i1 to i32
    %sign3A_12 = arith.subi %sign3A_8, %sign3A_11 : i32
    %ne3A = arith.cmpi ne, %sign3A_5, %sign3A_12 : i32
    %rem3A = arith.remsi %arg0, %jit3A : i32
    %ne3A_13 = arith.constant 0 : i32
    %ne3A_14 = arith.cmpi ne, %rem3A, %ne3A_13 : i32
    %and3A = arith.andi %ne3A, %ne3A_14 : i1
    %sub3A = arith.constant 1 : i32
    %sub3A_15 = arith.subi %div3A, %sub3A : i32
    %select_n3A = arith.select %and3A, %sub3A_15, %div3A : i32
    %jit3A_16 = arith.constant 1 : i32
    %eq3A = arith.constant 0 : i32
    %eq3A_17 = arith.cmpi eq, %jit3A_16, %eq3A : i32
    %jit3A_18 = arith.constant 1 : i32
    %select_n3A_19 = arith.select %eq3A_17, %jit3A_18, %jit3A_16 : i32
    %rem3A_20 = arith.remsi %arg0, %select_n3A_19 : i32
    %ne3A_21 = arith.constant 0 : i32
    %ne3A_22 = arith.cmpi ne, %rem3A_20, %ne3A_21 : i32
    %lt3A = arith.constant 0 : i32
    %lt3A_23 = arith.cmpi slt, %rem3A_20, %lt3A : i32
    %lt3A_24 = arith.constant 0 : i32
    %lt3A_25 = arith.cmpi slt, %select_n3A_19, %lt3A_24 : i32
    %ne3A_26 = arith.xori %lt3A_23, %lt3A_25 : i1
    %and3A_27 = arith.andi %ne3A_26, %ne3A_22 : i1
    %add3A = arith.addi %rem3A_20, %select_n3A_19 : i32
    %select_n3A_28 = arith.select %and3A_27, %add3A, %rem3A_20 : i32
    %c0_i32 = arith.constant 0 : i32
    %c0_i32_29 = arith.constant 0 : i32
    return %select_n3A, %c0_i32, %select_n3A_28 : i32, i32, i32
  }
  func.func @transform_1(%arg0: i32) -> (i32, i32) {
    %c0_i32 = arith.constant 0 : i32
    %c0_i32_0 = arith.constant 0 : i32
    %c0_i32_1 = arith.constant 0 : i32
    return %c0_i32, %c0_i32_0 : i32, i32
  }
  func.func @transform_2(%arg0: i32) -> (i32, i32) {
    %c0_i32 = arith.constant 0 : i32
    %c0_i32_0 = arith.constant 0 : i32
    %c0_i32_1 = arith.constant 0 : i32
    return %c0_i32, %c0_i32_0 : i32, i32
  }
  func.func @transform_3(%arg0: i32) -> (i32, i32, i32) {
    %c0_i32 = arith.constant 0 : i32
    %c0_i32_0 = arith.constant 0 : i32
    %c0_i32_1 = arith.constant 0 : i32
    return %arg0, %c0_i32, %c0_i32_0 : i32, i32, i32
  }
}

module attributes {stable_mosaic.version = 14 : i64} {
  func.func @_kl_body(%arg0: i32, %arg1: memref<1x20x4096xf32, #tpu.memory_space<vmem>>, %arg2: memref<1x20x4096xf32, #tpu.memory_space<vmem>>, %arg3: memref<32x1024xf32, #tpu.memory_space<vmem>>, %arg4: memref<1x1xf32, #tpu.memory_space<vmem>>, %arg5: memref<1x1xf32, #tpu.memory_space<vmem>>) attributes {dimension_semantics = [#tpu.dimension_semantics<arbitrary>], iteration_bounds = array<i64: 16>, scalar_prefetch = 0 : i64, scratch_operands = 0 : i64, tpu.core_type = #tpu.core_type<tc>, window_params = [{transform_indices = @transform_0, window_bounds = array<i64: 1, 20, 4096>}, {transform_indices = @transform_1, window_bounds = array<i64: 1, 20, 4096>}, {pipeline_mode = #tpu.pipeline_mode<synchronous>, transform_indices = @transform_2, window_bounds = array<i64: 32, 1024>}, {pipeline_mode = #tpu.pipeline_mode<synchronous>, transform_indices = @transform_3, window_bounds = array<i64: 1, 1>}, {pipeline_mode = #tpu.pipeline_mode<synchronous>, transform_indices = @transform_4, window_bounds = array<i64: 1, 1>}]} {
    %get3A = arith.constant 0 : index
    %get3A_0 = arith.constant 0 : index
    %get3A_1 = arith.constant 0 : index
    %get3A_2 = vector.load %arg1[%get3A, %get3A_0, %get3A_1] : memref<1x20x4096xf32, #tpu.memory_space<vmem>>, vector<1x20x4096xf32>
    %get3A_3 = vector.shape_cast %get3A_2 : vector<1x20x4096xf32> to vector<20x4096xf32>
    %get3A_4 = arith.constant 0 : index
    %get3A_5 = arith.constant 0 : index
    %get3A_6 = arith.constant 0 : index
    %get3A_7 = vector.load %arg2[%get3A_4, %get3A_5, %get3A_6] : memref<1x20x4096xf32, #tpu.memory_space<vmem>>, vector<1x20x4096xf32>
    %get3A_8 = vector.shape_cast %get3A_7 : vector<1x20x4096xf32> to vector<20x4096xf32>
    %reduce_max3A = arith.constant dense<0xFF800000> : vector<4096xf32>
    %reduce_max3A_9 = vector.multi_reduction <maximumf>, %get3A_3, %reduce_max3A [0] : vector<20x4096xf32> to vector<4096xf32>
    %broadcast_in_dim3A = vector.shape_cast %reduce_max3A_9 : vector<4096xf32> to vector<1x4096xf32>
    %sub3A = vector.broadcast %broadcast_in_dim3A : vector<1x4096xf32> to vector<20x4096xf32>
    %sub3A_10 = arith.subf %get3A_3, %sub3A : vector<20x4096xf32>
    %exp3A = math.exp %sub3A_10 : vector<20x4096xf32>
    %reduce_sum3A = arith.constant dense<0.000000e+00> : vector<4096xf32>
    %reduce_sum3A_11 = vector.multi_reduction <add>, %exp3A, %reduce_sum3A [0] : vector<20x4096xf32> to vector<4096xf32>
    %broadcast_in_dim3A_12 = vector.shape_cast %reduce_sum3A_11 : vector<4096xf32> to vector<1x4096xf32>
    %div3A = vector.broadcast %broadcast_in_dim3A_12 : vector<1x4096xf32> to vector<20x4096xf32>
    %div3A_13 = arith.divf %exp3A, %div3A : vector<20x4096xf32>
    %sub3A_14 = vector.broadcast %broadcast_in_dim3A : vector<1x4096xf32> to vector<20x4096xf32>
    %sub3A_15 = arith.subf %get3A_3, %sub3A_14 : vector<20x4096xf32>
    %log3A = math.log %broadcast_in_dim3A_12 : vector<1x4096xf32>
    %sub3A_16 = vector.broadcast %log3A : vector<1x4096xf32> to vector<20x4096xf32>
    %sub3A_17 = arith.subf %sub3A_15, %sub3A_16 : vector<20x4096xf32>
    %reduce_max3A_18 = arith.constant dense<0xFF800000> : vector<4096xf32>
    %reduce_max3A_19 = vector.multi_reduction <maximumf>, %get3A_8, %reduce_max3A_18 [0] : vector<20x4096xf32> to vector<4096xf32>
    %broadcast_in_dim3A_20 = vector.shape_cast %reduce_max3A_19 : vector<4096xf32> to vector<1x4096xf32>
    %sub3A_21 = vector.broadcast %broadcast_in_dim3A_20 : vector<1x4096xf32> to vector<20x4096xf32>
    %sub3A_22 = arith.subf %get3A_8, %sub3A_21 : vector<20x4096xf32>
    %exp3A_23 = math.exp %sub3A_22 : vector<20x4096xf32>
    %reduce_sum3A_24 = arith.constant dense<0.000000e+00> : vector<4096xf32>
    %reduce_sum3A_25 = vector.multi_reduction <add>, %exp3A_23, %reduce_sum3A_24 [0] : vector<20x4096xf32> to vector<4096xf32>
    %broadcast_in_dim3A_26 = vector.shape_cast %reduce_sum3A_25 : vector<4096xf32> to vector<1x4096xf32>
    %div3A_27 = vector.broadcast %broadcast_in_dim3A_26 : vector<1x4096xf32> to vector<20x4096xf32>
    %div3A_28 = arith.divf %exp3A_23, %div3A_27 : vector<20x4096xf32>
    %sub3A_29 = arith.subf %sub3A_17, %div3A_28 : vector<20x4096xf32>
    %mul3A = arith.mulf %div3A_13, %sub3A_29 : vector<20x4096xf32>
    %reduce_sum3A_30 = vector.shape_cast %mul3A : vector<20x4096xf32> to vector<1x20x4096xf32>
    %reduce_sum3A_31 = arith.constant dense<0.000000e+00> : vector<1xf32>
    %reduce_sum3A_32 = vector.multi_reduction <add>, %reduce_sum3A_30, %reduce_sum3A_31 [1, 2] : vector<1x20x4096xf32> to vector<1xf32>
    %reduce_sum3A_33 = vector.shape_cast %reduce_sum3A_32 : vector<1xf32> to vector<1x1x1xf32>
    %reduce_sum3A_34 = vector.extract %reduce_sum3A_33[0, 0, 0] : f32 from vector<1x1x1xf32>
    %reshape3A = vector.broadcast %reduce_sum3A_34 : f32 to vector<1x1xf32>
    %eq3A = arith.constant 0 : i32
    %eq3A_35 = arith.cmpi eq, %arg0, %eq3A : i32
    %convert_element_type3A = arith.extui %eq3A_35 : i1 to i32
    %cond3A = arith.constant 0 : i32
    %cond3A_36 = arith.cmpi ne, %convert_element_type3A, %cond3A : i32
    scf.if %cond3A_36 {
      %broadcast_in_dim3A_42 = arith.constant 0.000000e+00 : f32
      %broadcast_in_dim3A_43 = vector.broadcast %broadcast_in_dim3A_42 : f32 to vector<1x1xf32>
      %swap3A_44 = arith.constant 0 : index
      %swap3A_45 = arith.constant 0 : index
      %swap3A_46 = vector.load %arg4[%swap3A_44, %swap3A_45] : memref<1x1xf32, #tpu.memory_space<vmem>>, vector<1x1xf32>
      tpu.vector_store %arg4[%swap3A_44, %swap3A_45], %broadcast_in_dim3A_43 {strides = array<i32>} : memref<1x1xf32, #tpu.memory_space<vmem>>, vector<1x1xf32>,
      %get3A_47 = arith.constant 0 : index
      %get3A_48 = arith.constant 0 : index
      %get3A_49 = vector.load %arg3[%get3A_47, %get3A_48] : memref<32x1024xf32, #tpu.memory_space<vmem>>, vector<32x1024xf32>
      %reduce_sum3A_50 = arith.constant dense<0.000000e+00> : vector<1024xf32>
      %reduce_sum3A_51 = vector.multi_reduction <add>, %get3A_49, %reduce_sum3A_50 [0] : vector<32x1024xf32> to vector<1024xf32>
      %broadcast_in_dim3A_52 = vector.shape_cast %reduce_sum3A_51 : vector<1024xf32> to vector<1x1024xf32>
      %div3A_53 = arith.constant 6.553600e+04 : f32
      %div3A_54 = vector.broadcast %div3A_53 : f32 to vector<1x1024xf32>
      %div3A_55 = arith.divf %broadcast_in_dim3A_52, %div3A_54 : vector<1x1024xf32>
      %add3A_56 = arith.constant 1.000000e-10 : f32
      %add3A_57 = vector.broadcast %add3A_56 : f32 to vector<1x1024xf32>
      %add3A_58 = arith.addf %div3A_55, %add3A_57 : vector<1x1024xf32>
      %log3A_59 = math.log %add3A_58 : vector<1x1024xf32>
      %mul3A_60 = arith.mulf %div3A_55, %log3A_59 : vector<1x1024xf32>
      %reduce_sum3A_61 = vector.shape_cast %mul3A_60 : vector<1x1024xf32> to vector<1x1x1024xf32>
      %reduce_sum3A_62 = arith.constant dense<0.000000e+00> : vector<1xf32>
      %reduce_sum3A_63 = vector.multi_reduction <add>, %reduce_sum3A_61, %reduce_sum3A_62 [1, 2] : vector<1x1x1024xf32> to vector<1xf32>
      %reduce_sum3A_64 = vector.shape_cast %reduce_sum3A_63 : vector<1xf32> to vector<1x1x1xf32>
      %reduce_sum3A_65 = vector.extract %reduce_sum3A_64[0, 0, 0] : f32 from vector<1x1x1xf32>
      %neg3A = arith.constant 0.000000e+00 : f32
      %neg3A_66 = arith.subf %neg3A, %reduce_sum3A_65 : f32
      %exp3A_67 = math.exp %neg3A_66 : f32
      %reshape3A_68 = vector.broadcast %exp3A_67 : f32 to vector<1x1xf32>
      %swap3A_69 = arith.constant 0 : index
      %swap3A_70 = arith.constant 0 : index
      %swap3A_71 = vector.load %arg5[%swap3A_69, %swap3A_70] : memref<1x1xf32, #tpu.memory_space<vmem>>, vector<1x1xf32>
      tpu.vector_store %arg5[%swap3A_69, %swap3A_70], %reshape3A_68 {strides = array<i32>} : memref<1x1xf32, #tpu.memory_space<vmem>>, vector<1x1xf32>,
    } else {
    }
    %get3A_37 = arith.constant 0 : index
    %get3A_38 = arith.constant 0 : index
    %get3A_39 = vector.load %arg4[%get3A_37, %get3A_38] : memref<1x1xf32, #tpu.memory_space<vmem>>, vector<1x1xf32>
    %add3A = arith.addf %get3A_39, %reshape3A : vector<1x1xf32>
    %swap3A = arith.constant 0 : index
    %swap3A_40 = arith.constant 0 : index
    %swap3A_41 = vector.load %arg4[%swap3A, %swap3A_40] : memref<1x1xf32, #tpu.memory_space<vmem>>, vector<1x1xf32>
    tpu.vector_store %arg4[%swap3A, %swap3A_40], %add3A {strides = array<i32>} : memref<1x1xf32, #tpu.memory_space<vmem>>, vector<1x1xf32>,
    return
  }
  func.func @transform_0(%arg0: i32) -> (i32, i32, i32) {
    %jit3A = arith.constant 1 : i32
    %div3A = arith.divsi %arg0, %jit3A : i32
    %sign3A = arith.constant 0 : i32
    %sign3A_0 = arith.cmpi sgt, %arg0, %sign3A : i32
    %sign3A_1 = arith.extui %sign3A_0 : i1 to i32
    %sign3A_2 = arith.constant 0 : i32
    %sign3A_3 = arith.cmpi slt, %arg0, %sign3A_2 : i32
    %sign3A_4 = arith.extui %sign3A_3 : i1 to i32
    %sign3A_5 = arith.subi %sign3A_1, %sign3A_4 : i32
    %sign3A_6 = arith.constant 0 : i32
    %sign3A_7 = arith.cmpi sgt, %jit3A, %sign3A_6 : i32
    %sign3A_8 = arith.extui %sign3A_7 : i1 to i32
    %sign3A_9 = arith.constant 0 : i32
    %sign3A_10 = arith.cmpi slt, %jit3A, %sign3A_9 : i32
    %sign3A_11 = arith.extui %sign3A_10 : i1 to i32
    %sign3A_12 = arith.subi %sign3A_8, %sign3A_11 : i32
    %ne3A = arith.cmpi ne, %sign3A_5, %sign3A_12 : i32
    %rem3A = arith.remsi %arg0, %jit3A : i32
    %ne3A_13 = arith.constant 0 : i32
    %ne3A_14 = arith.cmpi ne, %rem3A, %ne3A_13 : i32
    %and3A = arith.andi %ne3A, %ne3A_14 : i1
    %sub3A = arith.constant 1 : i32
    %sub3A_15 = arith.subi %div3A, %sub3A : i32
    %select_n3A = arith.select %and3A, %sub3A_15, %div3A : i32
    %jit3A_16 = arith.constant 1 : i32
    %eq3A = arith.constant 0 : i32
    %eq3A_17 = arith.cmpi eq, %jit3A_16, %eq3A : i32
    %jit3A_18 = arith.constant 1 : i32
    %select_n3A_19 = arith.select %eq3A_17, %jit3A_18, %jit3A_16 : i32
    %rem3A_20 = arith.remsi %arg0, %select_n3A_19 : i32
    %ne3A_21 = arith.constant 0 : i32
    %ne3A_22 = arith.cmpi ne, %rem3A_20, %ne3A_21 : i32
    %lt3A = arith.constant 0 : i32
    %lt3A_23 = arith.cmpi slt, %rem3A_20, %lt3A : i32
    %lt3A_24 = arith.constant 0 : i32
    %lt3A_25 = arith.cmpi slt, %select_n3A_19, %lt3A_24 : i32
    %ne3A_26 = arith.xori %lt3A_23, %lt3A_25 : i1
    %and3A_27 = arith.andi %ne3A_26, %ne3A_22 : i1
    %add3A = arith.addi %rem3A_20, %select_n3A_19 : i32
    %select_n3A_28 = arith.select %and3A_27, %add3A, %rem3A_20 : i32
    %c0_i32 = arith.constant 0 : i32
    %c0_i32_29 = arith.constant 0 : i32
    return %select_n3A, %c0_i32, %select_n3A_28 : i32, i32, i32
  }
  func.func @transform_1(%arg0: i32) -> (i32, i32, i32) {
    %jit3A = arith.constant 1 : i32
    %div3A = arith.divsi %arg0, %jit3A : i32
    %sign3A = arith.constant 0 : i32
    %sign3A_0 = arith.cmpi sgt, %arg0, %sign3A : i32
    %sign3A_1 = arith.extui %sign3A_0 : i1 to i32
    %sign3A_2 = arith.constant 0 : i32
    %sign3A_3 = arith.cmpi slt, %arg0, %sign3A_2 : i32
    %sign3A_4 = arith.extui %sign3A_3 : i1 to i32
    %sign3A_5 = arith.subi %sign3A_1, %sign3A_4 : i32
    %sign3A_6 = arith.constant 0 : i32
    %sign3A_7 = arith.cmpi sgt, %jit3A, %sign3A_6 : i32
    %sign3A_8 = arith.extui %sign3A_7 : i1 to i32
    %sign3A_9 = arith.constant 0 : i32
    %sign3A_10 = arith.cmpi slt, %jit3A, %sign3A_9 : i32
    %sign3A_11 = arith.extui %sign3A_10 : i1 to i32
    %sign3A_12 = arith.subi %sign3A_8, %sign3A_11 : i32
    %ne3A = arith.cmpi ne, %sign3A_5, %sign3A_12 : i32
    %rem3A = arith.remsi %arg0, %jit3A : i32
    %ne3A_13 = arith.constant 0 : i32
    %ne3A_14 = arith.cmpi ne, %rem3A, %ne3A_13 : i32
    %and3A = arith.andi %ne3A, %ne3A_14 : i1
    %sub3A = arith.constant 1 : i32
    %sub3A_15 = arith.subi %div3A, %sub3A : i32
    %select_n3A = arith.select %and3A, %sub3A_15, %div3A : i32
    %jit3A_16 = arith.constant 1 : i32
    %eq3A = arith.constant 0 : i32
    %eq3A_17 = arith.cmpi eq, %jit3A_16, %eq3A : i32
    %jit3A_18 = arith.constant 1 : i32
    %select_n3A_19 = arith.select %eq3A_17, %jit3A_18, %jit3A_16 : i32
    %rem3A_20 = arith.remsi %arg0, %select_n3A_19 : i32
    %ne3A_21 = arith.constant 0 : i32
    %ne3A_22 = arith.cmpi ne, %rem3A_20, %ne3A_21 : i32
    %lt3A = arith.constant 0 : i32
    %lt3A_23 = arith.cmpi slt, %rem3A_20, %lt3A : i32
    %lt3A_24 = arith.constant 0 : i32
    %lt3A_25 = arith.cmpi slt, %select_n3A_19, %lt3A_24 : i32
    %ne3A_26 = arith.xori %lt3A_23, %lt3A_25 : i1
    %and3A_27 = arith.andi %ne3A_26, %ne3A_22 : i1
    %add3A = arith.addi %rem3A_20, %select_n3A_19 : i32
    %select_n3A_28 = arith.select %and3A_27, %add3A, %rem3A_20 : i32
    %c0_i32 = arith.constant 0 : i32
    %c0_i32_29 = arith.constant 0 : i32
    return %select_n3A, %c0_i32, %select_n3A_28 : i32, i32, i32
  }
  func.func @transform_2(%arg0: i32) -> (i32, i32) {
    %c0_i32 = arith.constant 0 : i32
    %c0_i32_0 = arith.constant 0 : i32
    %c0_i32_1 = arith.constant 0 : i32
    return %c0_i32, %c0_i32_0 : i32, i32
  }
  func.func @transform_3(%arg0: i32) -> (i32, i32) {
    %c0_i32 = arith.constant 0 : i32
    %c0_i32_0 = arith.constant 0 : i32
    %c0_i32_1 = arith.constant 0 : i32
    return %c0_i32, %c0_i32_0 : i32, i32
  }
  func.func @transform_4(%arg0: i32) -> (i32, i32) {
    %c0_i32 = arith.constant 0 : i32
    %c0_i32_0 = arith.constant 0 : i32
    %c0_i32_1 = arith.constant 0 : i32
    return %c0_i32, %c0_i32_0 : i32, i32
  }
}

</mosaic_0001>

<sc_bundles>
// kernel: kernel.5.cloned.1.call-start
scs
__scs_entry_jumppad:
0x0: {  	(pc) =	sbr.rel $0x88, $3  }
0x1: {  	(tag) =	ssettag $0x0;
	lr =	simm.s32 $0x1  }
0x2: {  	[smem:$0x3F9F] =	sst lr;
	_ =	strace $0xD0000000  }
0x3: {  	_ = 	snop  }
0x4: {  	_ = 	snop  }
0x5: {  	_ = 	snop  }
0x6: {  	_ = 	snop  }
0x7: {  	_ = 	snop  }
__scs_overlays_trampoline_lowered:
0x8: {  	[smem:$0x3FAE] =	sst s0  }
0x9: {  	[smem:$0x3FAF] =	sst s1  }
0xa: {  	[smem:$0x3FB0] =	sst s2  }
0xb: {  	[smem:$0x3FB1] =	sst s3  }
0xc: {  	[smem:$0x3FB2] =	sst s4  }
0xd: {  	[smem:$0x3FB3] =	sst s5  }
0xe: {  	[smem:$0x3FB4] =	sst s6  }
0xf: {  	[smem:$0x3FB5] =	sst s7  }
0x10: {  	[smem:$0x3FB6] =	sst s8  }
0x11: {  	[smem:$0x3FB7] =	sst s9;
	s0 =	simm.s32 @!p0 $0x0  }
0x12: {  	s1 =	sld [smem:$0x3F9D];
	s0 =	simm.s32 @p0 $0x1  }
0x13: {  	[smem:$0x3FB8] =	sst s0;
	s0 =	simm.s32 @!p1 $0x0  }
0x14: {  	s2 =	sld [smem:$0x3F9C];
	s0 =	simm.s32 @p1 $0x1  }
0x15: {  	[smem:$0x3FB9] =	sst s0;
	s0 =	simm.s32 @!p2 $0x0  }
0x16: {  	s3 =	sld [smem:$0x3FDB];
	s0 =	simm.s32 @p2 $0x1  }
0x17: {  	s4 =	simm.s32 $0x1BF5;
	[smem:$0x3FBB] =	sst s0  }
0x18: {  	s0 =	sld [smem:$0x3F9E];
	_ =	swait.ge [sflag:s4], $0x0  }
0x19: {  	s7 =	sld [smem:$0x3F9F]  }
0x1a: {  	s8 =	sadd.s32 $0xFFFFE003, lr  }
0x1b: {  	s9 =	sadd.s32 $0xFFFFFEF7, lr;
	s5 =	simm.s32 $0xFFFFFFFF;
	p2 =	slt.u32 s8, $0xFFFFF086  }
0x1c: {  	p1 =	slt.u32 s9, $0xF7A;
	s5 =	simm.s32 @!p2 $0x0  }
0x1d: {  	s5 =	simm.s32 @p1 $0x1;
	p0 =	seq.s32 s7, s2  }
0x1e: {  	s7 =	smul.u32 @!p0 $0xF7A, s2;
	p2 =	seq.s32 @!p0 s5, $0x0  }
0x1f: {  	s9 =	smul.u32 $0xF7A, s1;
	s8 =	simm.s32 @!p0 $0x1BF5;
	p2 =	por !p2, p0  }
0x20: {  	[sflag:s8] =	ssyncset.s32 @!p0 $0xFFFFF086;
	s6 =	sadd.s32 @!p0 s3, s7;
	s7 =	simm.s32 @!p0 $0x108  }
0x21: {  	s3 =	sadd.s32 s3, s9;
	s6 =	sadd.s32 @!p0 $0x88, s6;
	s7 =	simm.s32 @p2 $0x1082  }
0x22: {  	[simem:s7], [sflag:s8] =	dma.local @!p0 [hbm:s6], $0xF7A  }
0x23: {  	s9 =	sor.u32 $0xD0000000, s2;
	s6 =	simm.s32 $0x108;
	_ =	swait.ge @!p0 [sflag:s8], $0x0  }
0x24: {  	s3 =	sadd.s32 $0x88, s3;
	s6 =	simm.s32 @!p1 $0x1082;
	[sflag:s4] =	ssyncset.s32 $0xFFFFF086  }
0x25: {  	[simem:s6], [sflag:s4] =	dma.local [hbm:s3], $0xF7A  }
0x26: {  	[smem:$0x3F9F] =	sst s1;
	(tag) =	ssettag s2;
	_ =	strace s9  }
0x27: {  	s1 =	sld [smem:$0x3FAF]  }
0x28: {  	s2 =	sld [smem:$0x3FB0]  }
0x29: {  	s4 =	sld [smem:$0x3FB2]  }
0x2a: {  	p0 =	seq.s32 s5, $0x0;
	s5 =	sld [smem:$0x3FB3]  }
0x2b: {  	s6 =	sld [smem:$0x3FB4]  }
0x2c: {  	s7 =	sld [smem:$0x3FB5]  }
0x2d: {  	s3 =	simm.s32 $0x108;
	s8 =	sld [smem:$0x3FB6]  }
0x2e: {  	s3 =	simm.s32 @!p0 $0x1082;
	s9 =	sld [smem:$0x3FB7]  }
0x2f: {  	lr =	sadd.s32 s0, s3;
	s0 =	sld [smem:$0x3FAE]  }
0x30: {  	s3 =	sld [smem:$0x3FB1]  }
0x31: {  	[smem:$0x3FBA] =	sst s10  }
0x32: {  	s10 =	sld [smem:$0x3FB8];
	_ =	sdelay $0x3  }
0x33: {  	p0 =	seq.s32 s10, $0x1;
	s10 =	sld [smem:$0x3FBA];
	_ =	sdelay $0x3  }
0x34: {  	[smem:$0x3FBA] =	sst s10  }
0x35: {  	s10 =	sld [smem:$0x3FB9];
	_ =	sdelay $0x3  }
0x36: {  	p1 =	seq.s32 s10, $0x1;
	s10 =	sld [smem:$0x3FBA];
	_ =	sdelay $0x3  }
0x37: {  	[smem:$0x3FBA] =	sst s10  }
0x38: {  	s10 =	sld [smem:$0x3FBB]  }
0x39: {  	_ = 	snop;
	(pc) =	sbr.ind lr, $3  }
0x3a: {  	_ = 	snop  }
0x3b: {  	_ = 	snop  }
0x3c: {  	p2 =	seq.s32 s10, $0x1;
	s10 =	sld [smem:$0x3FBA]  }
0x3d: {  	_ =	shalt  }
0x3e: {  	_ =	shalt  }
0x3f: {  	_ =	shalt  }
0x40: {  	_ =	shalt  }
0x41: {  	_ =	shalt  }
0x42: {  	_ =	shalt  }
0x43: {  	_ =	shalt  }
0x44: {  	_ =	shalt  }
0x45: {  	_ =	shalt  }
0x46: {  	_ =	shalt  }
0x47: {  	_ =	shalt  }
0x48: {  	_ =	shalt  }
0x49: {  	_ =	shalt  }
0x4a: {  	_ =	shalt  }
0x4b: {  	_ =	shalt  }
0x4c: {  	_ =	shalt  }
0x4d: {  	_ =	shalt  }
0x4e: {  	_ =	shalt  }
0x4f: {  	_ =	shalt  }
0x50: {  	_ =	shalt  }
0x51: {  	_ =	shalt  }
0x52: {  	_ =	shalt  }
0x53: {  	_ =	shalt  }
0x54: {  	_ =	shalt  }
0x55: {  	_ =	shalt  }
0x56: {  	_ =	shalt  }
0x57: {  	_ =	shalt  }
0x58: {  	_ =	shalt  }
0x59: {  	_ =	shalt  }
0x5a: {  	_ =	shalt  }
0x5b: {  	_ =	shalt  }
0x5c: {  	_ =	shalt  }
0x5d: {  	_ =	shalt  }
0x5e: {  	_ =	shalt  }
0x5f: {  	_ =	shalt  }
0x60: {  	_ =	shalt  }
0x61: {  	_ =	shalt  }
0x62: {  	_ =	shalt  }
0x63: {  	_ =	shalt  }
0x64: {  	_ =	shalt  }
0x65: {  	_ =	shalt  }
0x66: {  	_ =	shalt  }
0x67: {  	_ =	shalt  }
0x68: {  	_ =	shalt  }
0x69: {  	_ =	shalt  }
0x6a: {  	_ =	shalt  }
0x6b: {  	_ =	shalt  }
0x6c: {  	_ =	shalt  }
0x6d: {  	_ =	shalt  }
0x6e: {  	_ =	shalt  }
0x6f: {  	_ =	shalt  }
0x70: {  	_ =	shalt  }
0x71: {  	_ =	shalt  }
0x72: {  	_ =	shalt  }
0x73: {  	_ =	shalt  }
0x74: {  	_ =	shalt  }
0x75: {  	_ =	shalt  }
0x76: {  	_ =	shalt  }
0x77: {  	_ =	shalt  }
0x78: {  	_ =	shalt  }
0x79: {  	_ =	shalt  }
0x7a: {  	_ =	shalt  }
0x7b: {  	_ =	shalt  }
0x7c: {  	_ =	shalt  }
0x7d: {  	_ =	shalt  }
0x7e: {  	_ =	shalt  }
0x7f: {  	_ =	shalt  }
0x80: {  	_ =	shalt  }
0x81: {  	_ =	shalt  }
0x82: {  	_ =	shalt  }
0x83: {  	_ =	shalt  }
0x84: {  	_ =	shalt  }
0x85: {  	_ =	shalt  }
0x86: {  	_ =	shalt  }
0x87: {  	_ =	shalt  }
.Lfunc_end0:
.L_simem_size_0:
called_computation_lowered:
.L_overlay_start_0:
0x88: {  	s2 =	sld [smem:$0x3FD9]  }
0x89: {  	s3 =	sld [smem:$0x3FFE];
	_ =	sdelay $0x1  }
0x8a: {  	s1 =	srdreg.scid  }
0x8b: {  	s0 =	sand.u32 $0x1, s1  }
0x8c: {  	s14 =	sshll.u32 s0, $0xA;
	s2 =	sadd.s32 s3, s2  }
0x8d: {  	s2 =	sadd.s32 s2, s14  }
0x8e: {  	[smem:$0x3FC6] =	sst s2  }
0x8f: {  	_ = 	snop  }
0x90: {  	s2 =	sld [smem:$0x3FD0];
	_ =	sdelay $0x2  }
0x91: {  	s15 =	simm.s32 $0xA;
	s4 =	simm.s32 $0x10  }
0x92: {  	[smem:s4], [sflag:s15] =	dma.local [hbm:s2], $0x1  }
0x93: {  	_ =	swait.eq [sflag:s15], $0x1  }
0x94: {  	[sflag:s15] =	ssyncset.done $0x0  }
0x95: {  	s16 =	sld [smem:$0x13];
	[sflag:s15] =	ssyncadd.s32 $0xFFFFFFFF  }
0x96: {  	s17 =	sld [smem:$0x14];
	(tm) =	ssettm $0x1  }
0x97: {  	s18 =	sld [smem:$0x3FFB];
	_ =	sdelay $0x3  }
0x98: {  	_ =	strace s18  }
0x99: {  	s4 =	sld [smem:$0x3FFC];
	_ =	sdelay $0x3  }
0x9a: {  	_ =	strace s4  }
0x9b: {  	s4 =	sld [smem:$0x3FFD];
	_ =	sdelay $0x3  }
0x9c: {  	_ =	strace s4  }
0x9d: {  	_ =	strace $0x8FFFFFFF  }
0x9e: {  	s19 =	sld [smem:$0x3FDB];
	_ =	sdelay $0x1  }
0x9f: {  	s5 =	simm.s32 $_scs_section_size  }
0xa0: {  	s6 =	simm.s32 $_size__tile_overlayer_lowered;
	s7 =	simm.s32 $_tile_overlayer_lowered  }
0xa1: {  	s22 =	simm.s32 $0x1BFF;
	s21 =	sshll.u32 s7, $0x1;
	s4 =	sadd.s32 s5, s19  }
0xa2: {  	s8 =	simm.s32 $0x0;
	s20 =	sshll.u32 s6, $0x1;
	s6 =	sadd.s32 s21, s4  }
0xa3: {  	[timem:s8], [sflag:s22] =	dma.local [hbm:s6], s20  }
0xa4: {  	_ =	swait.ge [sflag:s22], s20  }
0xa5: {  	s5 =	ssub.s32 $0x0, s20;
	[sflag:s22] =	ssyncset.done $0x0  }
0xa6: {  	[sflag:s22] =	ssyncadd.s32 s5;
	_ =	sdelay $0x1  }
0xa7: {  	s23 =	simm.s32 $0x1B8B  }
0xa8: {  	_ =	swait.ge [sflag:s23], $0x1  }
0xa9: {  	[sflag:s23] =	ssyncset.done $0x0  }
0xaa: {  	s25 =	simm.s32 $0x1B8E;
	s24 =	sld [smem:$0x3FFE];
	[sflag:s23] =	ssyncadd.s32 $0xFFFFFFFF  }
0xab: {  	s26 =	simm.s32 $execute0_lowered;
	[smem:$0x3FD2] =	sst s25  }
0xac: {  	s6 =	sshll.u32 s26, $0x1;
	_ =	strace $0x80000046;
	[dreg:$0x1] =	wrdreg $0xFFFFFFFF  }
0xad: {  	s28 =	simm.s32 $_size_execute0_lowered;
	s4 =	sadd.s32 s4, s6;
	[dreg:$0x0] =	wrdreg $0x0  }
0xae: {  	s6 =	sshll.u32 s28, $0x1;
	[dreg:$0x2] =	wrdreg s4  }
0xaf: {  	[dreg:$0x3] =	wrdreg s6  }
0xb0: {  	[dreg:$0x4] =	wrdreg $0xC0  }
0xb1: {  	_ =	task [dreg:s8], $0x5FFFF  }
0xb2: {  	[dreg:$0x1] =	wrdreg $0xFFFFFFFF  }
0xb3: {  	[dreg:$0x0] =	wrdreg $0x60  }
0xb4: {  	[dreg:$0x2] =	wrdreg s17  }
0xb5: {  	[dreg:$0x3] =	wrdreg s16  }
0xb6: {  	[dreg:$0x4] =	wrdreg s24  }
0xb7: {  	[dreg:$0x5] =	wrdreg $0x9  }
0xb8: {  	_ =	task.clear_ibuf [dreg:s8], $0x6FFFF;
	_ =	strace $0x90000046  }
0xb9: {  	s29 =	simm.s32 $0x9;
	_ =	strace $0x80000048  }
0xba: {  	_ =	swait.ge [sflag:s29], $0x1  }
0xbb: {  	[sflag:s29] =	ssyncadd.s32 $0xFFFFFFFF  }
0xbc: {  	_ =	strace $0x90000048  }
0xbd: {  	_ =	sfence  }
0xbe: {  	s30 =	sld [smem:$0x0];
	_ =	sdelay $0x2  }
0xbf: {  	s31 =	sshll.u32 s1, $0xD;
	s1 =	sshrl.u32 s1, $0x2  }
0xc0: {  	s3 =	sand.u32 $0x4000, s31;
	s1 =	sadd.s32 s1, s30  }
0xc1: {  	s0 =	sor.u32 s3, s0;
	s1 =	sshll.u32 s1, $0x11  }
0xc2: {  	s0 =	sor.u32 s1, s0  }
0xc3: {  	s0 =	sadd.s32 $0x8F2B, s0  }
0xc4: {  	[sflag:s0] =	ssyncadd.remote.s32 $0x1  }
0xc5: {  	_ =	sfence.sel $0xFFFF  }
0xc6: {  	[dreg:$0x0] =	wrdreg $0xFFFFFFFF;
	(pc) =	sbr.abs _section_cstart, $3  }
0xc7: {  	[dreg:$0x1] =	wrdreg $0xFFFFFFFF  }
0xc8: {  	_ =	task.clear_ibuf [dreg:s8], $0x2FFFF;
	_ =	strace $0x9FFFFFFF  }
0xc9: {  	(tm) =	ssettm $0x7FFFFFFF  }
tec
execute0_lowered:
.L_overlay_start_1:
0x0: {  	(tag) =	ssettag $0x1  }
0x1: {  	v0 =	vimm.s32 $0x2380;
	vm0 =	vcmask $0x300  }
0x2: {  	vm14 =	vcmask $0x704;
	v0 =	vsel vm0, $0x0, v0  }
0x3: {  	vm15 =	vcmask $0xB08;
	v0 =	vsel vm14, $0x80, v0  }
0x4: {  	vm4 =	vcmask $0xF0C;
	v0 =	vsel vm15, $0x100, v0  }
0x5: {  	s0 =	rddreg [dreg:$0x0];
	s1 =	srdreg.scid;
	vm5 =	vcmask $0x1310;
	v0 =	vsel vm4, $0x180, v0  }
0x6: {  	s6 =	stileid.u32;
	s2 =	rddreg [dreg:$0x2];
	s3 =	simm.s32 $0x0;
	vm6 =	vcmask $0x1714;
	v0 =	vsel vm5, $0x200, v0  }
0x7: {  	vm7 =	vcmask $0x1B18;
	s8 =	simm.s32 $0x1;
	s9 =	simm.s32 $0x800;
	s10 =	simm.s32 $0x11680;
	v0 =	vsel vm6, $0x280, v0  }
0x8: {  	vm8 =	vcmask $0x1F1C;
	s17 =	simm.s32 $0x0;
	s18 =	simm.s32 $0x0;
	s1 =	sand.u32 $0x1, s1;
	v0 =	vsel vm7, $0x300, v0  }
0x9: {  	vm9 =	vcmask $0x2320;
	s4 =	smul.u32 $0x18000, s6;
	[smem:$0x7FF] =	sst s3;
	s29 =	sshll.u32 s6, $0x8;
	v0 =	vsel vm8, $0x380, v0  }
0xa: {  	vm10 =	vcmask $0x2724;
	s6 =	sshll.u32 s6, $0x1;
	s5 =	sshll.u32 s1, $0xE;
	_ =	strace $0x80000047;
	v0 =	vsel vm9, $0x2000, v0  }
0xb: {  	vm11 =	vcmask $0x2B28;
	s7 =	ssub.s32 $0x2, s1;
	s1 =	sor.u32 s1, s6;
	s4 =	sor.u32 s5, s4;
	v0 =	vsel vm10, $0x2080, v0  }
0xc: {  	vm12 =	vcmask $0x2F2C;
	s30 =	sshrl.u32 s7, $0x1;
	s6 =	sshll.u32 s1, $0x4;
	s4 =	sshrl.u32 s4, $0x3;
	v0 =	vsel vm11, $0x2100, v0  }
0xd: {  	vm13 =	vcmask $0x3330;
	s1 =	sshll.u32 s1, $0x8;
	s28 =	sadd.s32 s4, s2;
	s4 =	sand.u32 $0xC00, s29;
	v0 =	vsel vm12, $0x2180, v0  }
0xe: {  	vm14 =	vcmask $0x3734;
	s6 =	sand.u32 $0x70, s6;
	s0 =	sadd.s32 s0, s1;
	s2 =	sadd.s32 s4, s2;
	v0 =	vsel vm13, $0x2200, v0  }
0xf: {  	vm15 =	vcmask $0x3B38;
	s7 =	ssub.s32 s7, s30;
	[dreg:$0x4] =	wrdreg s0;
	s31 =	sadd.s32 s6, s2;
	v1 =	vsel vm14, $0x2280, v0  }
0x10: {  	v2 =	vimm.f32 $1.000000000e+00;
	s7 =	smax.u32 s7, $0x1;
	s5 =	sadd.s32 $0x2200, s28;
	s6 =	sadd.s32 $0x1200, s31;
	v0 =	vimm.f32 $0.0e+00;
	v1 =	vsel vm15, $0x2300, v1  }
.LBB2_1:
0x11: {  	s0 =	rddreg [dreg:$0x4]  }
0x12: {  	[tilespmem:s3], [sflag:$0x1] =	stream.linear.gather [hbm4b:s0+s3], $0x800, $0x38;
	[tilespmem:$0x15A80] =	vst v63  }
0x13: {  	_ =	swait.ge [sflag:s8], $0x800  }
0x14: {  	[sflag:s8] =	ssyncset.done $0x0  }
0x15: {  	[sflag:s8] =	ssyncadd.s32 $0xFFFFF800  }
0x16: {  	s30 =	rddreg [dreg:$0x1]  }
0x17: {  	[tilespmem:s9], [sflag:$0x1] =	stream.linear.gather [hbm4b:s30+s3], $0x4E80, $0x38;
	[tilespmem:$0x15A80] =	vst v63  }
0x18: {  	s31 =	sand.u32 $0x70, s3;
	s1 =	sand.u32 $0x1C00, s3;
	_ =	swait.ge [sflag:s8], $0x4E80  }
0x19: {  	s0 =	sor.u32 s31, s1;
	[sflag:s8] =	ssyncset.done $0x0  }
0x1a: {  	s11 =	sadd.s32 $0x11680, s0;
	[sflag:s8] =	ssyncadd.s32 $0xFFFFB180  }
0x1b: {  	[tilespmem:s11+$0x280] =	vst v0  }
0x1c: {  	[tilespmem:s11+$0x200] =	vst v0  }
0x1d: {  	[tilespmem:s11+$0x180] =	vst v0  }
0x1e: {  	[tilespmem:s11+$0x100] =	vst v0  }
0x1f: {  	[tilespmem:s11+$0x80] =	vst v0  }
0x20: {  	s12 =	sor.u32 s3, s3;
	s2 =	simm.s32 $0x0;
	s1 =	simm.s32 $0x10;
	[tilespmem:s0+$0x11680] =	vst v0  }
.LBB2_2:
0x21: {  	p0 =	sne.s32 s1, $0x3F0;
	[tilespmem:s11+$0x300] =	vst v0;
	s11 =	sor.u32 $0x380, s12  }
0x22: {  	[tilespmem:s11+$0x11680] =	vst v0  }
0x23: {  	[tilespmem:s0+$0x13680] =	vst v0  }
0x24: {  	[tilespmem:s0+$0x13700] =	vst v0  }
0x25: {  	[tilespmem:s0+$0x13780] =	vst v0  }
0x26: {  	[tilespmem:s0+$0x13800] =	vst v0  }
0x27: {  	s2 =	sadd.s32 $0x80, s2;
	[tilespmem:s0+$0x13880] =	vst v0  }
0x28: {  	s11 =	sand.u32 $0x70, s1;
	s12 =	sand.u32 $0x1C00, s2;
	[tilespmem:s0+$0x13900] =	vst v0  }
0x29: {  	s12 =	sor.u32 s11, s12;
	[tilespmem:s0+$0x13980] =	vst v0  }
0x2a: {  	s11 =	sadd.s32 $0x11680, s12;
	[tilespmem:s0+$0x13A00] =	vst v0;
	s0 =	smov.u32 s12  }
0x2b: {  	[tilespmem:s11+$0x280] =	vst v0  }
.Ltmp0:
0x2c: {  	[tilespmem:s11+$0x200] =	vst v0;
	(pc) =	sbr.rel @p0 .LBB2_2-.Ltmp0, $4  }
0x2d: {  	[tilespmem:s11+$0x180] =	vst v0  }
0x2e: {  	[tilespmem:s11+$0x100] =	vst v0  }
0x2f: {  	[tilespmem:s11+$0x80] =	vst v0  }
0x30: {  	s12 =	sor.u32 s2, s1;
	s1 =	sadd.s32 $0x10, s1;
	[tilespmem:s0+$0x11680] =	vst v0  }
0x31: {  	[tilespmem:s11+$0x300] =	vst v0;
	s1 =	sor.u32 $0x380, s12  }
0x32: {  	[tilespmem:s1+$0x11680] =	vst v0  }
0x33: {  	[tilespmem:s0+$0x13680] =	vst v0  }
0x34: {  	[tilespmem:s0+$0x13700] =	vst v0  }
0x35: {  	[tilespmem:s0+$0x13780] =	vst v0  }
0x36: {  	[tilespmem:s0+$0x13800] =	vst v0  }
0x37: {  	[tilespmem:s0+$0x13880] =	vst v0  }
0x38: {  	[tilespmem:s0+$0x13900] =	vst v0  }
0x39: {  	p0 =	por $0x0, $0x0;
	[tilespmem:s0+$0x13980] =	vst v0  }
0x3a: {  	s19 =	simm.s32 $0x0;
	s20 =	simm.s32 $0x0;
	s21 =	simm.s32 $0x0;
	[tilespmem:s0+$0x13A00] =	vst v0  }
.LBB2_4:
0x3b: {  	v4 =	vld [tilespmem:s19+$0x0];
	_ =	sdelay $0x4  }
0x3c: {  	v7 =	vmul.u32 $0x14, v4;
	_ =	sdelay $0x5  }
0x3d: {  	s16 =	sand.u32 $0x40, s20;
	v8 =	vld.idx.msk [tilespmem:v7+s9+$0x0], $0xffff  }
0x3e: {  	s0 =	sand.u32 $0x780, s20;
	s15 =	sor.u32 $0x10, s16;
	v9 =	vor.u32 $0x1, v7  }
0x3f: {  	s24 =	sand.u32 $0x3C00, s21;
	s23 =	sor.u32 $0x20, s16;
	s1 =	sor.u32 s15, s0  }
0x40: {  	s22 =	sor.u32 $0x30, s16;
	s25 =	sadd.s32 $0x5680, s24;
	s26 =	sor.u32 s23, s0;
	v6 =	vld [tilespmem:s1+$0x0]  }
0x41: {  	s0 =	sor.u32 s22, s0;
	s28 =	sor.u32 s16, s25;
	v5 =	vld [tilespmem:s26+$0x0]  }
0x42: {  	v3 =	vld [tilespmem:s0+$0x0];
	[tilespmem:s28+$0x0] =	vst v8  }
0x43: {  	v8 =	vld.idx.msk [tilespmem:v9+s9+$0x0], $0xffff  }
0x44: {  	v35 =	vor.u32 $0x2, v7;
	_ =	sdelay $0x3  }
0x45: {  	[tilespmem:s28+$0x80] =	vst v8  }
0x46: {  	v8 =	vld.idx.msk [tilespmem:v35+s9+$0x0], $0xffff  }
0x47: {  	v36 =	vor.u32 $0x3, v7;
	_ =	sdelay $0x3  }
0x48: {  	[tilespmem:s28+$0x100] =	vst v8  }
0x49: {  	v8 =	vld.idx.msk [tilespmem:v36+s9+$0x0], $0xffff  }
0x4a: {  	v37 =	vadd.s32 $0x4, v7;
	_ =	sdelay $0x3  }
0x4b: {  	[tilespmem:s28+$0x180] =	vst v8  }
0x4c: {  	s0 =	simm.s32 $0x1;
	v8 =	vld.idx.msk [tilespmem:v37+s9+$0x0], $0xffff  }
0x4d: {  	s0 =	simm.s32 @!p0 $0x0;
	v38 =	vadd.s32 $0x5, v7  }
0x4e: {  	s0 =	sshll.u32 s0, $0x6  }
0x4f: {  	s26 =	sadd.s32 s0, s21  }
0x50: {  	s0 =	sor.u32 $0x200, s26  }
0x51: {  	[tilespmem:s0+$0x5680] =	vst v8  }
0x52: {  	v8 =	vld.idx.msk [tilespmem:v38+s9+$0x0], $0xffff  }
0x53: {  	v39 =	vadd.s32 $0x6, v7;
	_ =	sdelay $0x2  }
0x54: {  	s29 =	sor.u32 $0x280, s26  }
0x55: {  	[tilespmem:s29+$0x5680] =	vst v8  }
0x56: {  	v8 =	vld.idx.msk [tilespmem:v39+s9+$0x0], $0xffff  }
0x57: {  	v40 =	vadd.s32 $0x7, v7;
	_ =	sdelay $0x2  }
0x58: {  	s30 =	sor.u32 $0x300, s26  }
0x59: {  	[tilespmem:s30+$0x5680] =	vst v8  }
0x5a: {  	v8 =	vld.idx.msk [tilespmem:v40+s9+$0x0], $0xffff  }
0x5b: {  	v41 =	vadd.s32 $0x8, v7;
	_ =	sdelay $0x2  }
0x5c: {  	s31 =	sor.u32 $0x380, s26  }
0x5d: {  	[tilespmem:s31+$0x5680] =	vst v8  }
0x5e: {  	v8 =	vld.idx.msk [tilespmem:v41+s9+$0x0], $0xffff  }
0x5f: {  	v42 =	vadd.s32 $0x9, v7;
	_ =	sdelay $0x1  }
0x60: {  	s28 =	sadd.s32 $0x9680, s24  }
0x61: {  	s1 =	sor.u32 s16, s28  }
0x62: {  	[tilespmem:s1+$0x0] =	vst v8  }
0x63: {  	v8 =	vld.idx.msk [tilespmem:v42+s9+$0x0], $0xffff  }
0x64: {  	v43 =	vadd.s32 $0xA, v7;
	_ =	sdelay $0x1  }
0x65: {  	s29 =	sadd.s32 $0x9700, s24  }
0x66: {  	s2 =	sor.u32 s16, s29  }
0x67: {  	[tilespmem:s2+$0x0] =	vst v8  }
0x68: {  	v8 =	vld.idx.msk [tilespmem:v43+s9+$0x0], $0xffff  }
0x69: {  	v44 =	vadd.s32 $0xB, v7;
	_ =	sdelay $0x1  }
0x6a: {  	s30 =	sadd.s32 $0x9780, s24  }
0x6b: {  	s4 =	sor.u32 s16, s30  }
0x6c: {  	[tilespmem:s4+$0x0] =	vst v8  }
0x6d: {  	v8 =	vld.idx.msk [tilespmem:v44+s9+$0x0], $0xffff  }
0x6e: {  	v45 =	vadd.s32 $0xC, v7;
	_ =	sdelay $0x1  }
0x6f: {  	s31 =	sadd.s32 $0x9800, s24  }
0x70: {  	s11 =	sor.u32 s16, s31  }
0x71: {  	[tilespmem:s11+$0x0] =	vst v8  }
0x72: {  	v8 =	vld.idx.msk [tilespmem:v45+s9+$0x0], $0xffff  }
0x73: {  	v46 =	vadd.s32 $0xD, v7;
	_ =	sdelay $0x1  }
0x74: {  	s2 =	sadd.s32 $0x9880, s24  }
0x75: {  	s12 =	sor.u32 s16, s2  }
0x76: {  	[tilespmem:s12+$0x0] =	vst v8  }
0x77: {  	v8 =	vld.idx.msk [tilespmem:v46+s9+$0x0], $0xffff  }
0x78: {  	v47 =	vadd.s32 $0xE, v7;
	_ =	sdelay $0x1  }
0x79: {  	s0 =	sadd.s32 $0x9900, s24  }
0x7a: {  	s13 =	sor.u32 s16, s0  }
0x7b: {  	[tilespmem:s13+$0x0] =	vst v8  }
0x7c: {  	v8 =	vld.idx.msk [tilespmem:v47+s9+$0x0], $0xffff  }
0x7d: {  	v48 =	vadd.s32 $0xF, v7;
	_ =	sdelay $0x1  }
0x7e: {  	s1 =	sadd.s32 $0x9980, s24  }
0x7f: {  	s11 =	sor.u32 s16, s1  }
0x80: {  	[tilespmem:s11+$0x0] =	vst v8  }
0x81: {  	v8 =	vld.idx.msk [tilespmem:v48+s9+$0x0], $0xffff  }
0x82: {  	v49 =	vadd.s32 $0x10, v7;
	_ =	sdelay $0x1  }
0x83: {  	s11 =	sadd.s32 $0x9A00, s24  }
0x84: {  	s12 =	sor.u32 s16, s11  }
0x85: {  	[tilespmem:s12+$0x0] =	vst v8  }
0x86: {  	v8 =	vld.idx.msk [tilespmem:v49+s9+$0x0], $0xffff  }
0x87: {  	v50 =	vadd.s32 $0x11, v7;
	_ =	sdelay $0x1  }
0x88: {  	s13 =	sadd.s32 $0xD680, s24  }
0x89: {  	s14 =	sor.u32 s16, s13  }
0x8a: {  	[tilespmem:s14+$0x0] =	vst v8  }
0x8b: {  	v8 =	vld.idx.msk [tilespmem:v50+s9+$0x0], $0xffff  }
0x8c: {  	v51 =	vadd.s32 $0x12, v7;
	_ =	sdelay $0x1  }
0x8d: {  	s14 =	sadd.s32 $0xD700, s24  }
0x8e: {  	s4 =	sor.u32 s16, s14  }
0x8f: {  	[tilespmem:s4+$0x0] =	vst v8  }
0x90: {  	v8 =	vld.idx.msk [tilespmem:v51+s9+$0x0], $0xffff  }
0x91: {  	v7 =	vadd.s32 $0x13, v7;
	_ =	sdelay $0x1  }
0x92: {  	s12 =	sadd.s32 $0xD780, s24  }
0x93: {  	s4 =	sor.u32 s16, s12  }
0x94: {  	[tilespmem:s4+$0x0] =	vst v8  }
0x95: {  	v52 =	vmul.u32 $0x14, v6;
	v7 =	vld.idx.msk [tilespmem:v7+s9+$0x0], $0xffff;
	_ =	sdelay $0x2  }
0x96: {  	s24 =	sadd.s32 $0xD800, s24  }
0x97: {  	s16 =	sor.u32 s16, s24  }
0x98: {  	[tilespmem:s16+$0x0] =	vst v7  }
0x99: {  	v7 =	vld.idx.msk [tilespmem:v52+s9+$0x0], $0xffff  }
0x9a: {  	v53 =	vor.u32 $0x1, v52;
	_ =	sdelay $0x2  }
0x9b: {  	s16 =	sor.u32 s15, s25  }
0x9c: {  	[tilespmem:s16+$0x0] =	vst v7  }
0x9d: {  	v7 =	vld.idx.msk [tilespmem:v53+s9+$0x0], $0xffff  }
0x9e: {  	v54 =	vor.u32 $0x2, v52;
	_ =	sdelay $0x3  }
0x9f: {  	[tilespmem:s16+$0x80] =	vst v7  }
0xa0: {  	v7 =	vld.idx.msk [tilespmem:v54+s9+$0x0], $0xffff  }
0xa1: {  	v55 =	vor.u32 $0x3, v52;
	_ =	sdelay $0x3  }
0xa2: {  	[tilespmem:s16+$0x100] =	vst v7  }
0xa3: {  	v7 =	vld.idx.msk [tilespmem:v55+s9+$0x0], $0xffff  }
0xa4: {  	v56 =	vadd.s32 $0x4, v52;
	_ =	sdelay $0x3  }
0xa5: {  	[tilespmem:s16+$0x180] =	vst v7  }
0xa6: {  	v7 =	vld.idx.msk [tilespmem:v56+s9+$0x0], $0xffff  }
0xa7: {  	v57 =	vadd.s32 $0x5, v52;
	_ =	sdelay $0x1  }
0xa8: {  	s4 =	sadd.s32 $0x10, s26  }
0xa9: {  	s16 =	sor.u32 $0x200, s4  }
0xaa: {  	[tilespmem:s16+$0x5680] =	vst v7  }
0xab: {  	v7 =	vld.idx.msk [tilespmem:v57+s9+$0x0], $0xffff  }
0xac: {  	v58 =	vadd.s32 $0x6, v52;
	_ =	sdelay $0x2  }
0xad: {  	s16 =	sor.u32 $0x280, s4  }
0xae: {  	[tilespmem:s16+$0x5680] =	vst v7  }
0xaf: {  	v7 =	vld.idx.msk [tilespmem:v58+s9+$0x0], $0xffff  }
0xb0: {  	v59 =	vadd.s32 $0x7, v52;
	_ =	sdelay $0x2  }
0xb1: {  	s16 =	sor.u32 $0x300, s4  }
0xb2: {  	[tilespmem:s16+$0x5680] =	vst v7  }
0xb3: {  	v7 =	vld.idx.msk [tilespmem:v59+s9+$0x0], $0xffff  }
0xb4: {  	v60 =	vadd.s32 $0x8, v52;
	_ =	sdelay $0x2  }
0xb5: {  	s4 =	sor.u32 $0x380, s4  }
0xb6: {  	[tilespmem:s4+$0x5680] =	vst v7  }
0xb7: {  	v7 =	vld.idx.msk [tilespmem:v60+s9+$0x0], $0xffff  }
0xb8: {  	v61 =	vadd.s32 $0x9, v52;
	_ =	sdelay $0x2  }
0xb9: {  	s16 =	sor.u32 s15, s28  }
0xba: {  	[tilespmem:s16+$0x0] =	vst v7  }
0xbb: {  	v7 =	vld.idx.msk [tilespmem:v61+s9+$0x0], $0xffff  }
0xbc: {  	v62 =	vadd.s32 $0xA, v52;
	_ =	sdelay $0x2  }
0xbd: {  	s16 =	sor.u32 s15, s29  }
0xbe: {  	[tilespmem:s16+$0x0] =	vst v7  }
0xbf: {  	v7 =	vld.idx.msk [tilespmem:v62+s9+$0x0], $0xffff  }
0xc0: {  	v63 =	vadd.s32 $0xB, v52;
	_ =	sdelay $0x2  }
0xc1: {  	s16 =	sor.u32 s15, s30  }
0xc2: {  	[tilespmem:s16+$0x0] =	vst v7  }
0xc3: {  	v7 =	vld.idx.msk [tilespmem:v63+s9+$0x0], $0xffff  }
0xc4: {  	v12 =	vadd.s32 $0xC, v52;
	_ =	sdelay $0x2  }
0xc5: {  	s16 =	sor.u32 s15, s31  }
0xc6: {  	[tilespmem:s16+$0x0] =	vst v7  }
0xc7: {  	v7 =	vld.idx.msk [tilespmem:v12+s9+$0x0], $0xffff  }
0xc8: {  	v13 =	vadd.s32 $0xD, v52;
	_ =	sdelay $0x2  }
0xc9: {  	s16 =	sor.u32 s15, s2  }
0xca: {  	[tilespmem:s16+$0x0] =	vst v7  }
0xcb: {  	v7 =	vld.idx.msk [tilespmem:v13+s9+$0x0], $0xffff  }
0xcc: {  	v14 =	vadd.s32 $0xE, v52;
	_ =	sdelay $0x2  }
0xcd: {  	s16 =	sor.u32 s15, s0  }
0xce: {  	[tilespmem:s16+$0x0] =	vst v7  }
0xcf: {  	v7 =	vld.idx.msk [tilespmem:v14+s9+$0x0], $0xffff  }
0xd0: {  	v15 =	vadd.s32 $0xF, v52;
	_ =	sdelay $0x2  }
0xd1: {  	s16 =	sor.u32 s15, s1  }
0xd2: {  	[tilespmem:s16+$0x0] =	vst v7  }
0xd3: {  	v7 =	vld.idx.msk [tilespmem:v15+s9+$0x0], $0xffff  }
0xd4: {  	v16 =	vadd.s32 $0x10, v52;
	_ =	sdelay $0x2  }
0xd5: {  	s16 =	sor.u32 s15, s11  }
0xd6: {  	[tilespmem:s16+$0x0] =	vst v7  }
0xd7: {  	v7 =	vld.idx.msk [tilespmem:v16+s9+$0x0], $0xffff  }
0xd8: {  	v17 =	vadd.s32 $0x11, v52;
	_ =	sdelay $0x2  }
0xd9: {  	s16 =	sor.u32 s15, s13  }
0xda: {  	[tilespmem:s16+$0x0] =	vst v7  }
0xdb: {  	v7 =	vld.idx.msk [tilespmem:v17+s9+$0x0], $0xffff  }
0xdc: {  	v18 =	vadd.s32 $0x12, v52;
	_ =	sdelay $0x2  }
0xdd: {  	s16 =	sor.u32 s15, s14  }
0xde: {  	[tilespmem:s16+$0x0] =	vst v7  }
0xdf: {  	v7 =	vld.idx.msk [tilespmem:v18+s9+$0x0], $0xffff  }
0xe0: {  	v8 =	vadd.s32 $0x13, v52;
	_ =	sdelay $0x2  }
0xe1: {  	s16 =	sor.u32 s15, s12  }
0xe2: {  	[tilespmem:s16+$0x0] =	vst v7  }
0xe3: {  	v19 =	vmul.u32 $0x14, v5;
	v7 =	vld.idx.msk [tilespmem:v8+s9+$0x0], $0xffff;
	_ =	sdelay $0x3  }
0xe4: {  	s16 =	sor.u32 s15, s24  }
0xe5: {  	[tilespmem:s16+$0x0] =	vst v7  }
0xe6: {  	v7 =	vld.idx.msk [tilespmem:v19+s9+$0x0], $0xffff  }
0xe7: {  	v20 =	vor.u32 $0x1, v19;
	_ =	sdelay $0x2  }
0xe8: {  	s15 =	sor.u32 s23, s25  }
0xe9: {  	[tilespmem:s15+$0x0] =	vst v7  }
0xea: {  	v7 =	vld.idx.msk [tilespmem:v20+s9+$0x0], $0xffff  }
0xeb: {  	v21 =	vor.u32 $0x2, v19;
	_ =	sdelay $0x3  }
0xec: {  	[tilespmem:s15+$0x80] =	vst v7  }
0xed: {  	v7 =	vld.idx.msk [tilespmem:v21+s9+$0x0], $0xffff  }
0xee: {  	v22 =	vor.u32 $0x3, v19;
	_ =	sdelay $0x3  }
0xef: {  	[tilespmem:s15+$0x100] =	vst v7  }
0xf0: {  	v7 =	vld.idx.msk [tilespmem:v22+s9+$0x0], $0xffff  }
0xf1: {  	v23 =	vadd.s32 $0x4, v19;
	_ =	sdelay $0x3  }
0xf2: {  	[tilespmem:s15+$0x180] =	vst v7  }
0xf3: {  	v7 =	vld.idx.msk [tilespmem:v23+s9+$0x0], $0xffff  }
0xf4: {  	v24 =	vadd.s32 $0x5, v19;
	_ =	sdelay $0x1  }
0xf5: {  	s4 =	sadd.s32 $0x20, s26  }
0xf6: {  	s16 =	sor.u32 $0x200, s4  }
0xf7: {  	[tilespmem:s16+$0x5680] =	vst v7  }
0xf8: {  	v7 =	vld.idx.msk [tilespmem:v24+s9+$0x0], $0xffff  }
0xf9: {  	v25 =	vadd.s32 $0x6, v19;
	_ =	sdelay $0x2  }
0xfa: {  	s16 =	sor.u32 $0x280, s4  }
0xfb: {  	[tilespmem:s16+$0x5680] =	vst v7  }
0xfc: {  	v7 =	vld.idx.msk [tilespmem:v25+s9+$0x0], $0xffff  }
0xfd: {  	v26 =	vadd.s32 $0x7, v19;
	_ =	sdelay $0x2  }
0xfe: {  	s16 =	sor.u32 $0x300, s4  }
0xff: {  	[tilespmem:s16+$0x5680] =	vst v7  }
0x100: {  	v7 =	vld.idx.msk [tilespmem:v26+s9+$0x0], $0xffff  }
0x101: {  	v27 =	vadd.s32 $0x8, v19;
	_ =	sdelay $0x2  }
0x102: {  	s4 =	sor.u32 $0x380, s4  }
0x103: {  	[tilespmem:s4+$0x5680] =	vst v7  }
0x104: {  	v7 =	vld.idx.msk [tilespmem:v27+s9+$0x0], $0xffff  }
0x105: {  	v28 =	vadd.s32 $0x9, v19;
	_ =	sdelay $0x2  }
0x106: {  	s16 =	sor.u32 s23, s28  }
0x107: {  	[tilespmem:s16+$0x0] =	vst v7  }
0x108: {  	v7 =	vld.idx.msk [tilespmem:v28+s9+$0x0], $0xffff  }
0x109: {  	v29 =	vadd.s32 $0xA, v19;
	_ =	sdelay $0x2  }
0x10a: {  	s15 =	sor.u32 s23, s29  }
0x10b: {  	[tilespmem:s15+$0x0] =	vst v7  }
0x10c: {  	v7 =	vld.idx.msk [tilespmem:v29+s9+$0x0], $0xffff  }
0x10d: {  	v30 =	vadd.s32 $0xB, v19;
	_ =	sdelay $0x2  }
0x10e: {  	s16 =	sor.u32 s23, s30  }
0x10f: {  	[tilespmem:s16+$0x0] =	vst v7  }
0x110: {  	v7 =	vld.idx.msk [tilespmem:v30+s9+$0x0], $0xffff  }
0x111: {  	v31 =	vadd.s32 $0xC, v19;
	_ =	sdelay $0x2  }
0x112: {  	s15 =	sor.u32 s23, s31  }
0x113: {  	[tilespmem:s15+$0x0] =	vst v7  }
0x114: {  	v7 =	vld.idx.msk [tilespmem:v31+s9+$0x0], $0xffff  }
0x115: {  	v32 =	vadd.s32 $0xD, v19;
	_ =	sdelay $0x2  }
0x116: {  	s16 =	sor.u32 s23, s2  }
0x117: {  	[tilespmem:s16+$0x0] =	vst v7  }
0x118: {  	v7 =	vld.idx.msk [tilespmem:v32+s9+$0x0], $0xffff  }
0x119: {  	v33 =	vadd.s32 $0xE, v19;
	_ =	sdelay $0x2  }
0x11a: {  	s15 =	sor.u32 s23, s0  }
0x11b: {  	[tilespmem:s15+$0x0] =	vst v7  }
0x11c: {  	v7 =	vld.idx.msk [tilespmem:v33+s9+$0x0], $0xffff  }
0x11d: {  	v34 =	vadd.s32 $0xF, v19;
	_ =	sdelay $0x2  }
0x11e: {  	s16 =	sor.u32 s23, s1  }
0x11f: {  	[tilespmem:s16+$0x0] =	vst v7  }
0x120: {  	v7 =	vld.idx.msk [tilespmem:v34+s9+$0x0], $0xffff  }
0x121: {  	v35 =	vadd.s32 $0x10, v19;
	_ =	sdelay $0x2  }
0x122: {  	s15 =	sor.u32 s23, s11  }
0x123: {  	[tilespmem:s15+$0x0] =	vst v7  }
0x124: {  	v7 =	vld.idx.msk [tilespmem:v35+s9+$0x0], $0xffff  }
0x125: {  	v36 =	vadd.s32 $0x11, v19;
	_ =	sdelay $0x2  }
0x126: {  	s16 =	sor.u32 s23, s13  }
0x127: {  	[tilespmem:s16+$0x0] =	vst v7  }
0x128: {  	v7 =	vld.idx.msk [tilespmem:v36+s9+$0x0], $0xffff  }
0x129: {  	v37 =	vadd.s32 $0x12, v19;
	_ =	sdelay $0x2  }
0x12a: {  	s15 =	sor.u32 s23, s14  }
0x12b: {  	[tilespmem:s15+$0x0] =	vst v7  }
0x12c: {  	v7 =	vld.idx.msk [tilespmem:v37+s9+$0x0], $0xffff  }
0x12d: {  	v8 =	vadd.s32 $0x13, v19;
	_ =	sdelay $0x2  }
0x12e: {  	s16 =	sor.u32 s23, s12  }
0x12f: {  	[tilespmem:s16+$0x0] =	vst v7  }
0x130: {  	v38 =	vmul.u32 $0x14, v3;
	v7 =	vld.idx.msk [tilespmem:v8+s9+$0x0], $0xffff;
	_ =	sdelay $0x3  }
0x131: {  	s23 =	sor.u32 s23, s24  }
0x132: {  	[tilespmem:s23+$0x0] =	vst v7  }
0x133: {  	v7 =	vld.idx.msk [tilespmem:v38+s9+$0x0], $0xffff  }
0x134: {  	v39 =	vor.u32 $0x1, v38;
	_ =	sdelay $0x2  }
0x135: {  	s15 =	sor.u32 s22, s25  }
0x136: {  	[tilespmem:s15+$0x0] =	vst v7  }
0x137: {  	v7 =	vld.idx.msk [tilespmem:v39+s9+$0x0], $0xffff  }
0x138: {  	v40 =	vor.u32 $0x2, v38;
	_ =	sdelay $0x3  }
0x139: {  	[tilespmem:s15+$0x80] =	vst v7  }
0x13a: {  	v7 =	vld.idx.msk [tilespmem:v40+s9+$0x0], $0xffff  }
0x13b: {  	v41 =	vor.u32 $0x3, v38;
	_ =	sdelay $0x3  }
0x13c: {  	[tilespmem:s15+$0x100] =	vst v7  }
0x13d: {  	v7 =	vld.idx.msk [tilespmem:v41+s9+$0x0], $0xffff  }
0x13e: {  	v42 =	vadd.s32 $0x4, v38;
	_ =	sdelay $0x3  }
0x13f: {  	[tilespmem:s15+$0x180] =	vst v7  }
0x140: {  	v7 =	vld.idx.msk [tilespmem:v42+s9+$0x0], $0xffff  }
0x141: {  	v43 =	vadd.s32 $0x5, v38;
	_ =	sdelay $0x1  }
0x142: {  	s16 =	sadd.s32 $0x30, s26  }
0x143: {  	s23 =	sor.u32 $0x200, s16  }
0x144: {  	[tilespmem:s23+$0x5680] =	vst v7  }
0x145: {  	v7 =	vld.idx.msk [tilespmem:v43+s9+$0x0], $0xffff  }
0x146: {  	v44 =	vadd.s32 $0x6, v38;
	_ =	sdelay $0x2  }
0x147: {  	s25 =	sor.u32 $0x280, s16  }
0x148: {  	[tilespmem:s25+$0x5680] =	vst v7  }
0x149: {  	v7 =	vld.idx.msk [tilespmem:v44+s9+$0x0], $0xffff  }
0x14a: {  	v45 =	vadd.s32 $0x7, v38;
	_ =	sdelay $0x2  }
0x14b: {  	s26 =	sor.u32 $0x300, s16  }
0x14c: {  	[tilespmem:s26+$0x5680] =	vst v7  }
0x14d: {  	v7 =	vld.idx.msk [tilespmem:v45+s9+$0x0], $0xffff  }
0x14e: {  	v46 =	vadd.s32 $0x8, v38;
	_ =	sdelay $0x2  }
0x14f: {  	s4 =	sor.u32 $0x380, s16  }
0x150: {  	[tilespmem:s4+$0x5680] =	vst v7  }
0x151: {  	v7 =	vld.idx.msk [tilespmem:v46+s9+$0x0], $0xffff  }
0x152: {  	v47 =	vadd.s32 $0x9, v38;
	_ =	sdelay $0x2  }
0x153: {  	s28 =	sor.u32 s22, s28  }
0x154: {  	[tilespmem:s28+$0x0] =	vst v7  }
0x155: {  	v7 =	vld.idx.msk [tilespmem:v47+s9+$0x0], $0xffff  }
0x156: {  	v48 =	vadd.s32 $0xA, v38;
	_ =	sdelay $0x2  }
0x157: {  	s15 =	sor.u32 s22, s29  }
0x158: {  	[tilespmem:s15+$0x0] =	vst v7  }
0x159: {  	v7 =	vld.idx.msk [tilespmem:v48+s9+$0x0], $0xffff  }
0x15a: {  	v49 =	vadd.s32 $0xB, v38;
	_ =	sdelay $0x2  }
0x15b: {  	s16 =	sor.u32 s22, s30  }
0x15c: {  	[tilespmem:s16+$0x0] =	vst v7  }
0x15d: {  	v7 =	vld.idx.msk [tilespmem:v49+s9+$0x0], $0xffff  }
0x15e: {  	v50 =	vadd.s32 $0xC, v38;
	_ =	sdelay $0x2  }
0x15f: {  	s23 =	sor.u32 s22, s31  }
0x160: {  	[tilespmem:s23+$0x0] =	vst v7  }
0x161: {  	v7 =	vld.idx.msk [tilespmem:v50+s9+$0x0], $0xffff  }
0x162: {  	v51 =	vadd.s32 $0xD, v38;
	_ =	sdelay $0x2  }
0x163: {  	s2 =	sor.u32 s22, s2  }
0x164: {  	[tilespmem:s2+$0x0] =	vst v7  }
0x165: {  	v7 =	vld.idx.msk [tilespmem:v51+s9+$0x0], $0xffff  }
0x166: {  	v52 =	vadd.s32 $0xE, v38;
	_ =	sdelay $0x2  }
0x167: {  	s0 =	sor.u32 s22, s0  }
0x168: {  	[tilespmem:s0+$0x0] =	vst v7  }
0x169: {  	v7 =	vld.idx.msk [tilespmem:v52+s9+$0x0], $0xffff  }
0x16a: {  	v53 =	vadd.s32 $0xF, v38;
	_ =	sdelay $0x2  }
0x16b: {  	s25 =	sor.u32 s22, s1  }
0x16c: {  	[tilespmem:s25+$0x0] =	vst v7  }
0x16d: {  	v7 =	vld.idx.msk [tilespmem:v53+s9+$0x0], $0xffff  }
0x16e: {  	v54 =	vadd.s32 $0x10, v38;
	_ =	sdelay $0x2  }
0x16f: {  	s26 =	sor.u32 s22, s11  }
0x170: {  	[tilespmem:s26+$0x0] =	vst v7  }
0x171: {  	v7 =	vld.idx.msk [tilespmem:v54+s9+$0x0], $0xffff  }
0x172: {  	v55 =	vadd.s32 $0x11, v38;
	_ =	sdelay $0x2  }
0x173: {  	s28 =	sor.u32 s22, s13  }
0x174: {  	[tilespmem:s28+$0x0] =	vst v7  }
0x175: {  	v7 =	vld.idx.msk [tilespmem:v55+s9+$0x0], $0xffff  }
0x176: {  	v56 =	vadd.s32 $0x12, v38;
	_ =	sdelay $0x2  }
0x177: {  	s29 =	sor.u32 s22, s14  }
0x178: {  	[tilespmem:s29+$0x0] =	vst v7  }
0x179: {  	v7 =	vld.idx.msk [tilespmem:v56+s9+$0x0], $0xffff  }
0x17a: {  	v8 =	vadd.s32 $0x13, v38;
	_ =	sdelay $0x1  }
0x17b: {  	v57 =	vshll.u32 v4, $0x3;
	v4 =	vand.u32 $0x7F, v4;
	v58 =	vshll.u32 v6, $0x3  }
0x17c: {  	v9 =	vand.u32 $0xFFFFFC00, v57;
	v6 =	vand.u32 $0x7F, v6;
	v59 =	vand.u32 $0xFFFFFC00, v58;
	s30 =	sor.u32 s22, s12  }
0x17d: {  	v4 =	vor.u32 v4, v9;
	v6 =	vor.u32 v6, v59;
	[tilespmem:s30+$0x0] =	vst v7  }
0x17e: {  	v4 =	vadd.s32 v1, v4;
	v6 =	vadd.s32 v1, v6;
	v60 =	vshll.u32 v5, $0x3;
	v61 =	vld.idx.msk [tilespmem:v8+s9+$0x0], $0xffff  }
0x17f: {  	v5 =	vand.u32 $0x7F, v5;
	v62 =	vand.u32 $0xFFFFFC00, v60;
	v63 =	vshll.u32 v3, $0x3  }
0x180: {  	v5 =	vor.u32 v5, v62;
	v3 =	vand.u32 $0x7F, v3;
	v8 =	vand.u32 $0xFFFFFC00, v63  }
0x181: {  	v5 =	vadd.s32 v1, v5;
	v3 =	vor.u32 v3, v8  }
0x182: {  	p1 =	sne.s32 s21, $0x3E00;
	s31 =	sor.u32 s22, s24;
	v3 =	vadd.s32 v1, v3  }
.Ltmp1:
0x183: {  	[tilespmem:s31+$0x0] =	vst v61;
	(pc) =	sbr.rel @p1 .LBB2_4-.Ltmp1, $4  }
0x184: {  	[tilespmem:v4+s10+$0x0] =	vst.idx.add.f32.msk $0xffff, v2  }
0x185: {  	[tilespmem:v6+s10+$0x0] =	vst.idx.add.f32.msk $0xffff, v2  }
0x186: {  	s20 =	sadd.s32 $0x40, s20;
	[tilespmem:v5+s10+$0x0] =	vst.idx.add.f32.msk $0xffff, v2  }
0x187: {  	s19 =	sadd.s32 $0x40, s19;
	p0 =	por !p0, !p0;
	s21 =	sadd.s32 $0x200, s21;
	[tilespmem:v3+s10+$0x0] =	vst.idx.add.f32.msk $0xffff, v2  }
0x188: {  	s0 =	sand.u32 $0x70, s18;
	s1 =	sand.u32 $0x1C00, s18  }
0x189: {  	s0 =	sor.u32 s0, s1  }
0x18a: {  	s1 =	sadd.s32 $0x11680, s0;
	v4 =	vld [tilespmem:s0+$0x11680]  }
0x18b: {  	v3 =	vld [tilespmem:s1+$0x80];
	_ =	sdelay $0x1  }
0x18c: {  	v5 =	vld [tilespmem:s1+$0x100];
	_ =	sdelay $0x1  }
0x18d: {  	v6 =	vld [tilespmem:s1+$0x180]  }
0x18e: {  	v3 =	vadd.f32 v3, v4  }
0x18f: {  	v4 =	vld [tilespmem:s1+$0x200]  }
0x190: {  	v3 =	vadd.f32 v5, v3  }
0x191: {  	v5 =	vld [tilespmem:s1+$0x280]  }
0x192: {  	v3 =	vadd.f32 v6, v3  }
0x193: {  	v60 =	vld [tilespmem:s1+$0x300]  }
0x194: {  	v3 =	vadd.f32 v4, v3  }
0x195: {  	v4 =	vld [tilespmem:s1+$0x380]  }
0x196: {  	v3 =	vadd.f32 v5, v3  }
0x197: {  	v5 =	vld [tilespmem:s0+$0x13680]  }
0x198: {  	v3 =	vadd.f32 v60, v3  }
0x199: {  	v61 =	vld [tilespmem:s0+$0x13700]  }
0x19a: {  	v3 =	vadd.f32 v4, v3  }
0x19b: {  	v4 =	vld [tilespmem:s0+$0x13780]  }
0x19c: {  	v3 =	vadd.f32 v5, v3  }
0x19d: {  	v5 =	vld [tilespmem:s0+$0x13800]  }
0x19e: {  	v3 =	vadd.f32 v61, v3  }
0x19f: {  	v62 =	vld [tilespmem:s0+$0x13880]  }
0x1a0: {  	v3 =	vadd.f32 v4, v3  }
0x1a1: {  	v4 =	vld [tilespmem:s0+$0x13900]  }
0x1a2: {  	v3 =	vadd.f32 v5, v3  }
0x1a3: {  	v5 =	vld [tilespmem:s0+$0x13980]  }
0x1a4: {  	v3 =	vadd.f32 v62, v3  }
0x1a5: {  	v63 =	vld [tilespmem:s0+$0x13A00]  }
0x1a6: {  	v3 =	vadd.f32 v4, v3;
	_ =	sdelay $0x1  }
0x1a7: {  	v3 =	vadd.f32 v5, v3  }
0x1a8: {  	s30 =	simm.s32 $0x10;
	s2 =	simm.s32 $0x80  }
0x1a9: {  	s31 =	sand.u32 $0x70, s30;
	s4 =	sand.u32 $0x1C00, s2;
	v3 =	vadd.f32 v63, v3  }
0x1aa: {  	s11 =	simm.s32 $0x20;
	s1 =	sor.u32 s31, s4;
	s0 =	simm.s32 $0x15680  }
.LBB2_6:
0x1ab: {  	p0 =	sne.s32 s11, $0x3F0;
	s4 =	sadd.s32 $0x11680, s1;
	[tilespmem:s0+$0x0] =	vst v3  }
0x1ac: {  	v3 =	vld [tilespmem:s4+$0x80]  }
0x1ad: {  	v4 =	vld [tilespmem:s1+$0x11680];
	_ =	sdelay $0x1  }
0x1ae: {  	v5 =	vld [tilespmem:s4+$0x100];
	_ =	sdelay $0x1  }
0x1af: {  	v6 =	vld [tilespmem:s4+$0x180]  }
0x1b0: {  	v3 =	vadd.f32 v3, v4  }
0x1b1: {  	v4 =	vld [tilespmem:s4+$0x200]  }
0x1b2: {  	v3 =	vadd.f32 v5, v3  }
0x1b3: {  	v5 =	vld [tilespmem:s4+$0x280]  }
0x1b4: {  	v3 =	vadd.f32 v6, v3  }
0x1b5: {  	v6 =	vld [tilespmem:s4+$0x300]  }
0x1b6: {  	v3 =	vadd.f32 v4, v3  }
0x1b7: {  	v4 =	vld [tilespmem:s4+$0x380]  }
0x1b8: {  	v3 =	vadd.f32 v5, v3  }
0x1b9: {  	v5 =	vld [tilespmem:s1+$0x13680]  }
0x1ba: {  	v3 =	vadd.f32 v6, v3  }
0x1bb: {  	v6 =	vld [tilespmem:s1+$0x13700]  }
0x1bc: {  	v3 =	vadd.f32 v4, v3  }
0x1bd: {  	v4 =	vld [tilespmem:s1+$0x13780]  }
0x1be: {  	v3 =	vadd.f32 v5, v3  }
0x1bf: {  	v5 =	vld [tilespmem:s1+$0x13800]  }
0x1c0: {  	v3 =	vadd.f32 v6, v3  }
0x1c1: {  	v6 =	vld [tilespmem:s1+$0x13880]  }
0x1c2: {  	v3 =	vadd.f32 v4, v3  }
0x1c3: {  	v4 =	vld [tilespmem:s1+$0x13900]  }
0x1c4: {  	v3 =	vadd.f32 v5, v3  }
0x1c5: {  	v5 =	vld [tilespmem:s1+$0x13980]  }
0x1c6: {  	v3 =	vadd.f32 v6, v3  }
0x1c7: {  	v6 =	vld [tilespmem:s1+$0x13A00]  }
0x1c8: {  	v3 =	vadd.f32 v4, v3  }
.Ltmp2:
0x1c9: {  	(pc) =	sbr.rel @p0 .LBB2_6-.Ltmp2, $4  }
0x1ca: {  	v3 =	vadd.f32 v5, v3  }
0x1cb: {  	s2 =	sadd.s32 $0x80, s2  }
0x1cc: {  	s4 =	sand.u32 $0x1C00, s2;
	s1 =	sand.u32 $0x70, s11;
	v3 =	vadd.f32 v6, v3  }
0x1cd: {  	s0 =	sadd.s32 $0x10, s0;
	s11 =	sadd.s32 $0x10, s11;
	s1 =	sor.u32 s1, s4  }
0x1ce: {  	s2 =	sadd.s32 $0x11680, s1;
	[tilespmem:s0+$0x0] =	vst v3  }
0x1cf: {  	v3 =	vld [tilespmem:s2+$0x80]  }
0x1d0: {  	v4 =	vld [tilespmem:s1+$0x11680];
	_ =	sdelay $0x1  }
0x1d1: {  	v5 =	vld [tilespmem:s2+$0x100];
	_ =	sdelay $0x1  }
0x1d2: {  	v6 =	vld [tilespmem:s2+$0x180]  }
0x1d3: {  	v3 =	vadd.f32 v3, v4  }
0x1d4: {  	v52 =	vld [tilespmem:s2+$0x200]  }
0x1d5: {  	v3 =	vadd.f32 v5, v3  }
0x1d6: {  	v53 =	vld [tilespmem:s2+$0x280]  }
0x1d7: {  	v3 =	vadd.f32 v6, v3  }
0x1d8: {  	v54 =	vld [tilespmem:s2+$0x300]  }
0x1d9: {  	v3 =	vadd.f32 v52, v3  }
0x1da: {  	v55 =	vld [tilespmem:s2+$0x380]  }
0x1db: {  	v3 =	vadd.f32 v53, v3  }
0x1dc: {  	v56 =	vld [tilespmem:s1+$0x13680]  }
0x1dd: {  	v3 =	vadd.f32 v54, v3  }
0x1de: {  	v57 =	vld [tilespmem:s1+$0x13700]  }
0x1df: {  	v3 =	vadd.f32 v55, v3  }
0x1e0: {  	v58 =	vld [tilespmem:s1+$0x13780]  }
0x1e1: {  	v3 =	vadd.f32 v56, v3  }
0x1e2: {  	v59 =	vld [tilespmem:s1+$0x13800]  }
0x1e3: {  	v3 =	vadd.f32 v57, v3  }
0x1e4: {  	v60 =	vld [tilespmem:s1+$0x13880]  }
0x1e5: {  	v3 =	vadd.f32 v58, v3  }
0x1e6: {  	v61 =	vld [tilespmem:s1+$0x13900]  }
0x1e7: {  	v3 =	vadd.f32 v59, v3  }
0x1e8: {  	v62 =	vld [tilespmem:s1+$0x13980]  }
0x1e9: {  	v3 =	vadd.f32 v60, v3  }
0x1ea: {  	v63 =	vld [tilespmem:s1+$0x13A00]  }
0x1eb: {  	v3 =	vadd.f32 v61, v3;
	_ =	sdelay $0x1  }
0x1ec: {  	v3 =	vadd.f32 v62, v3;
	_ =	sdelay $0x1  }
0x1ed: {  	v3 =	vadd.f32 v63, v3  }
0x1ee: {  	s24 =	sadd.s32 $0x10, s0  }
0x1ef: {  	s25 =	simm.s32 $0x4000;
	s26 =	simm.s32 $0x8000;
	s28 =	simm.s32 $0x5680;
	[tilespmem:s24+$0x0] =	vst v3  }
0x1f0: {  	[hbm4b:s5+s25] =	stream.strided.scatter [tilespmem:s28], [sflag:$0x1], $0xC000, s26, s25, $0x38;
	[tilespmem:$0x15A80] =	vst v63  }
0x1f1: {  	s29 =	simm.s32 $0x80;
	s17 =	sadd.s32 $0x1, s17;
	_ =	swait.ge [sflag:s8], $0xC000  }
0x1f2: {  	s30 =	simm.s32 $0x400;
	p0 =	sne.s32 s17, s7;
	[sflag:s8] =	ssyncset.done $0x0  }
.Ltmp3:
0x1f3: {  	s31 =	simm.s32 $0x15680;
	[sflag:s8] =	ssyncadd.s32 $0xFFFF4000;
	(pc) =	sbr.rel @p0 .LBB2_1-.Ltmp3, $4  }
0x1f4: {  	[hbm4b:s6+s29] =	stream.strided.scatter [tilespmem:s31], [sflag:$0x1], $0x400, s30, s29, $0x38;
	[tilespmem:$0x15A80] =	vst v63  }
0x1f5: {  	_ =	swait.ge [sflag:s8], $0x400  }
0x1f6: {  	[sflag:s8] =	ssyncset.done $0x0  }
0x1f7: {  	[sflag:s8] =	ssyncadd.s32 $0xFFFFFC00  }
0x1f8: {  	_ =	sfence.sel $0x180000  }
0x1f9: {  	[bflag:$0x0] =	sbarrier.arrive $0xFFFF  }
0x1fa: {  	_ =	strace $0x90000047  }
0x1fb: {  	s0 =	stileid.u32;
	[bflag:$0x2] =	sbarrier.arrive $0xFFFF  }
0x1fc: {  	p0 =	sne.s32 s0, $0x0;
	s0 =	rddreg [dreg:$0x3]  }
0x1fd: {  	s0 =	sadd.s32 @!p0 $0x100000, s0  }
0x1fe: {  	[sflag:s0] =	ssyncadd.tile.s32 @!p0 $0x1;
	_ =	shalt  }
.Lfunc_end2:
_tile_overlayer_lowered:
.L_overlay_start_2:
0x1ff: {  	(tag) =	ssettag $0x2  }
0x200: {  	s0 =	rddreg [dreg:$0x0];
	s2 =	stileid.u32  }
0x201: {  	s1 =	rddreg [dreg:$0x1];
	p0 =	sne.s32 s2, $0x0  }
0x202: {  	s3 =	rddreg [dreg:$0x2];
	[bflag:$0x3] =	sbarrier.arrive $0xFFFF;
	s2 =	simm.s32 @!p0 $0x1C01  }
0x203: {  	[timem:s3], [sflag:s2] =	dma.local @!p0 [hbm:s0], s1  }
0x204: {  	s0 =	simm.s32 @!p0 $0x1  }
0x205: {  	_ =	swait.ge @!p0 [sflag:s0], s1  }
0x206: {  	s1 =	ssub.s32 @!p0 $0x0, s1;
	[sflag:s0] =	ssyncset.done @!p0 $0x0  }
0x207: {  	[sflag:s0] =	ssyncadd.s32 @!p0 s1  }
0x208: {  	[bflag:$0x3] =	sbarrier.arrive $0xFFFF  }
0x209: {  	_ =	shalt  }

</sc_bundles>
